<compile_context>
chip_gen: v7x
topology: tpu7x:2x2x1
jax: 0.10.2.dev20260603
libtpu: 0.0.44.dev20260713+nightly
codegen_flags: <defaults>
</compile_context>

<pallas_src>
import functools

import jax
import jax.numpy as jnp
from jax import lax
from jax.experimental import pallas as pl
from jax.experimental.pallas import tpu as pltpu
from jax.experimental.pallas import tpu_sc as plsc

_STRIDE = 8.0
_NC, _NS, _L = 2, 16, 16
_NW = _NC * _NS
_CHUNK = 512


def _sigmoid16(x):
    return 1.0 / (1.0 + jnp.exp(-x))


def _sqrt16(y):
    i = lax.bitcast_convert_type(y, jnp.int32)
    x = lax.bitcast_convert_type((i >> 1) + 0x1FBD1DF5, jnp.float32)
    x = 0.5 * (x + y / x)
    x = 0.5 * (x + y / x)
    return x


def _sc_body(center_hbm, logits_hbm, idxo_hbm, scoreo_hbm,
             lbuf, cbuf, oibuf, osbuf, lsem, *, n_pix, n_cls, n_h, n_w):
    ppw = n_pix // _NW
    rpw = ppw // n_w
    rch = 2
    nch = rpw // rch
    chpx = rch * n_w
    wid = lax.axis_index("s") * _NC + lax.axis_index("c")
    base = wid * ppw
    rbase = wid * rpw

    def logits_copy(ch, slot):
        r0 = rbase + ch * rch
        return pltpu.make_async_copy(
            logits_hbm.at[pl.ds(r0, rch)],
            lbuf.at[slot], lsem.at[slot])

    pltpu.sync_copy(center_hbm.at[pl.ds(base, ppw)], cbuf)
    logits_copy(0, 0).start()

    @pl.loop(0, nch)
    def _chunk(ch):
        slot = lax.rem(ch, 2)
        logits_copy(ch, slot).wait()

        @pl.when(ch + 1 < nch)
        def _():
            logits_copy(ch + 1, 1 - slot).start()

        @pl.loop(0, chpx // _L)
        def _group(g):
            p0 = g * _L
            lane = lax.broadcasted_iota(jnp.int32, (_L,), 0)
            pv = p0 + lane
            slotv = jnp.full((_L,), slot, jnp.int32)
            rowv = pv >> 7
            wv = pv & 127
            bests, bidxs = [], []
            for k in range(4):
                bests.append(plsc.load_gather(
                    lbuf, [slotv, rowv, wv, jnp.full((_L,), k, jnp.int32)]))
                bidxs.append(jnp.full((_L,), k, jnp.int32))
            for c in range(4, n_cls):
                k = c & 3
                v = plsc.load_gather(
                    lbuf, [slotv, rowv, wv, jnp.full((_L,), c, jnp.int32)])
                gt = v > bests[k]
                bidxs[k] = jnp.where(gt, c, bidxs[k])
                bests[k] = jnp.where(gt, v, bests[k])
            best, bidx = bests[0], bidxs[0]
            for k in range(1, 4):
                gt = bests[k] > best
                bidx = jnp.where(gt, bidxs[k], bidx)
                best = jnp.where(gt, bests[k], best)
            q0 = ch * chpx + p0
            oibuf[pl.ds(q0, _L)] = bidx
            cen = cbuf[pl.ds(q0, _L)]
            osbuf[pl.ds(q0, _L)] = _sqrt16(_sigmoid16(cen) * _sigmoid16(best))

    pltpu.sync_copy(oibuf, idxo_hbm.at[pl.ds(base, ppw)])
    pltpu.sync_copy(osbuf, scoreo_hbm.at[pl.ds(base, ppw)])


def _tc_bbox_body(bbox_ref, out_ref, *, n_h):
    e = jnp.exp(bbox_ref[...]) * _STRIDE
    lane = lax.broadcasted_iota(jnp.int32, e.shape, 1)
    lo_half = (lane & 2) == 0
    partner = jnp.where(lo_half, jnp.roll(e, -2, axis=1),
                        jnp.roll(e, 2, axis=1))
    rvec = (pl.program_id(0) * e.shape[0]
            + lax.broadcasted_iota(jnp.int32, e.shape, 0))
    wx = ((lax.rem(rvec, 4) * 32 + (lane >> 2)).astype(jnp.float32)
          * _STRIDE + _STRIDE * 0.5)
    hy = (lax.rem(rvec >> 2, n_h).astype(jnp.float32)
          * _STRIDE + _STRIDE * 0.5)
    base = jnp.where((lane & 3) == 0, wx, hy)
    out_ref[...] = jnp.where(lo_half, base + (partner - e) * 0.5,
                             partner + e)


def kernel(bbox, center, class_logits, img_h, img_w):
    nB, nH, nW, nCls = class_logits.shape
    n = nB * nH * nW

    center1 = center.reshape(n)

    mesh = plsc.VectorSubcoreMesh(core_axis_name="c", subcore_axis_name="s")
    sc = pl.kernel(
        functools.partial(_sc_body, n_pix=n, n_cls=nCls, n_h=nH, n_w=nW),
        mesh=mesh,
        out_type=[
            jax.ShapeDtypeStruct((n,), jnp.int32),
            jax.ShapeDtypeStruct((n,), jnp.float32),
        ],
        scratch_types=[
            pltpu.VMEM((2, 2, nW, nCls), jnp.float32),
            pltpu.VMEM((n // _NW,), jnp.float32),
            pltpu.VMEM((n // _NW,), jnp.int32),
            pltpu.VMEM((n // _NW,), jnp.float32),
            pltpu.SemaphoreType.DMA((2,)),
        ],
        compiler_params=pltpu.CompilerParams(
            needs_layout_passes=False, use_tc_tiling_on_sc=True),
    )
    idx, score = sc(center1, class_logits.reshape(nB * nH, nW, nCls))

    rows = 512
    bbox2 = bbox.reshape(n // 32, 128)
    bbox_out = pl.pallas_call(
        functools.partial(_tc_bbox_body, n_h=nH),
        grid=(n // 32 // rows,),
        in_specs=[pl.BlockSpec((rows, 128), lambda i: (i, 0))],
        out_specs=pl.BlockSpec((rows, 128), lambda i: (i, 0)),
        out_shape=jax.ShapeDtypeStruct((n // 32, 128), jnp.float32),
    )(bbox2)

    return (bbox_out.reshape(nB, nH * nW, 4),
            idx.reshape(nB, nH * nW),
            score.reshape(nB, nH * nW))

# --- scband reference (transcript-rebuilt; emitter-appended) ---
"""Pipeline reference for scband-fcoslayer-54623394070751 (READ-ONLY COPY).

The authoritative reference and input builder live on the scoring server;
editing this copy changes nothing except your own understanding.
"""

import jax, jax.numpy as jnp
import numpy as np

STRIDE = 8.0

def setup_inputs(seed: int = 0) -> dict:
    key = jax.random.key(seed)
    k1, k2, k3 = jax.random.split(key, 3)
    nB, nH, nW, nCls = 16, 128, 128, 80
    bbox = jax.random.normal(k1, (nB, nH, nW, 4), dtype=jnp.float32)
    center = jax.random.normal(k2, (nB, nH, nW, 1), dtype=jnp.float32)
    class_logits = jax.random.normal(k3, (nB, nH, nW, nCls), dtype=jnp.float32)
    return {"bbox": bbox, "center": center, "class_logits": class_logits, "img_h": 1024, "img_w": 1024}

def _ltrb_to_xywh(ltrb, nH, nW, stride):
    y_ = (jnp.arange(nH, dtype=jnp.float32) * stride + stride / 2).reshape(1, nH, 1)
    x_ = (jnp.arange(nW, dtype=jnp.float32) * stride + stride / 2).reshape(1, 1, nW)
    cx = x_ + (ltrb[..., 2] - ltrb[..., 0]) / 2
    cy = y_ + (ltrb[..., 3] - ltrb[..., 1]) / 2
    w = ltrb[..., 0] + ltrb[..., 2]
    h = ltrb[..., 1] + ltrb[..., 3]
    return jnp.stack([cx, cy, w, h], axis=-1)

def reference(bbox, center, class_logits, img_h, img_w):
    stride = STRIDE
    nB, nH, nW, nCls = class_logits.shape
    # inference branch (labels is None), ltrb_setting = 'exp_sl1'
    p_ltrb = jnp.exp(bbox) * stride
    p_xywh = _ltrb_to_xywh(p_ltrb, nH, nW, stride)
    p_center = jax.nn.sigmoid(center)
    p_cls = jax.nn.sigmoid(class_logits)
    cls_score = jnp.max(p_cls, axis=3, keepdims=True)
    cls_idx = jnp.argmax(p_cls, axis=3)
    confs = jnp.sqrt(p_center * cls_score)
    preds_bbox = p_xywh.reshape(nB, nH * nW, 4)
    preds_class_idx = cls_idx.reshape(nB, nH * nW)
    preds_score = confs.reshape(nB, nH * nW)
    return (preds_bbox, preds_class_idx, preds_score)

if False:  # reference __main__ guard neutralized (emitter)
    out = reference(**setup_inputs())
    print([o.shape for o in out])

if __name__ == "__main__":
    import jax
    _d = setup_inputs()
    print(jax.jit(kernel)(*tuple(_d.values())))

</pallas_src>

<mosaic_0001>
#map = affine_map<(d0, d1) -> (0)>
#map1 = affine_map<(d0, d1) -> (0, 0, 0)>
module attributes {stable_mosaic.version = 14 : i64} {
  func.func @_sc_body(%arg0: i32, %arg1: i32, %arg2: memref<262144xf32, #tpu.memory_space<hbm>>, %arg3: memref<2048x128x80xf32, #tpu.memory_space<hbm>>, %arg4: memref<262144xi32, #tpu.memory_space<hbm>>, %arg5: memref<262144xf32, #tpu.memory_space<hbm>>, %arg6: memref<2x2x128x80xf32, #tpu.memory_space<vmem>>, %arg7: memref<8192xf32, #tpu.memory_space<vmem>>, %arg8: memref<8192xi32, #tpu.memory_space<vmem>>, %arg9: memref<8192xf32, #tpu.memory_space<vmem>>, %arg10: memref<2x!tpu.dma_semaphore, #tpu.memory_space<semaphore_mem>>) attributes {dimension_semantics = [#tpu.dimension_semantics<core_parallel>, #tpu.dimension_semantics<subcore_parallel>], iteration_bounds = array<i64: 2, 16>, scalar_prefetch = 0 : i64, scratch_operands = 5 : i64, tpu.core_type = #tpu.core_type<sc_vector_subcore>, window_params = [{transform_indices = #map}, {transform_indices = #map1}, {transform_indices = #map}, {transform_indices = #map}]} {
    %mul3A = arith.constant 2 : i32
    %mul3A_0 = arith.muli %arg1, %mul3A : i32
    %add3A = arith.addi %mul3A_0, %arg0 : i32
    %mul3A_1 = arith.constant 8192 : i32
    %mul3A_2 = arith.muli %add3A, %mul3A_1 : i32
    %mul3A_3 = arith.constant 64 : i32
    %mul3A_4 = arith.muli %add3A, %mul3A_3 : i32
    "tpu.region"() ({
      %run_scoped3A = tpu.sem_alloc : memref<!tpu.dma_semaphore, #tpu.memory_space<semaphore_mem>>
      %dma_start3A_30 = tpu.memref_slice %arg2[%mul3A_2] : memref<262144xf32, #tpu.memory_space<hbm>> -> memref<8192xf32, #tpu.memory_space<hbm>>
      %dma_start3A_31 = tpu.memref_slice %arg2[%mul3A_2] : memref<262144xf32, #tpu.memory_space<hbm>> -> memref<8192xf32, #tpu.memory_space<hbm>>
      tpu.enqueue_dma source(%dma_start3A_31 : memref<8192xf32, #tpu.memory_space<hbm>>) target(%arg7 : memref<8192xf32, #tpu.memory_space<vmem>>) target_semaphore(%run_scoped3A : memref<!tpu.dma_semaphore, #tpu.memory_space<semaphore_mem>>)
      %dma_wait3A = tpu.memref_slice %arg2[%mul3A_2] : memref<262144xf32, #tpu.memory_space<hbm>> -> memref<8192xf32, #tpu.memory_space<hbm>>
      %dma_wait3A_32 = tpu.memref_slice %arg2[%mul3A_2] : memref<262144xf32, #tpu.memory_space<hbm>> -> memref<8192xf32, #tpu.memory_space<hbm>>
      tpu.wait_dma2 semaphore(%run_scoped3A : memref<!tpu.dma_semaphore, #tpu.memory_space<semaphore_mem>>) src(%dma_wait3A_32 : memref<8192xf32, #tpu.memory_space<hbm>>) dst(%arg7 : memref<8192xf32, #tpu.memory_space<vmem>>)
      tpu.yield
    }) : () -> ()
    %add3A_5 = arith.constant 0 : i32
    %add3A_6 = arith.addi %mul3A_4, %add3A_5 : i32
    %dma_start3A = arith.constant 0 : i32
    %dma_start3A_7 = arith.constant 0 : i32
    %dma_start3A_8 = arith.constant 0 : i32
    %dma_start3A_9 = arith.constant 0 : i32
    %dma_start3A_10 = arith.constant 0 : i32
    %dma_start3A_11 = tpu.memref_slice %arg6[%dma_start3A, %dma_start3A_8, %dma_start3A_9, %dma_start3A_10] : memref<2x2x128x80xf32, #tpu.memory_space<vmem>> -> memref<1x2x128x80xf32, #tpu.memory_space<vmem>>
    %dma_start3A_12 = tpu.memref_squeeze %dma_start3A_11 : memref<1x2x128x80xf32, #tpu.memory_space<vmem>> -> memref<2x128x80xf32, #tpu.memory_space<vmem>>
    %dma_start3A_13 = arith.constant 0 : i32
    %dma_start3A_14 = arith.constant 0 : i32
    %dma_start3A_15 = tpu.memref_slice %arg3[%add3A_6, %dma_start3A_13, %dma_start3A_14] : memref<2048x128x80xf32, #tpu.memory_space<hbm>> -> memref<2x128x80xf32, #tpu.memory_space<hbm>>
    %dma_start3A_16 = tpu.memref_slice %arg10[%dma_start3A_7] : memref<2x!tpu.dma_semaphore, #tpu.memory_space<semaphore_mem>> -> memref<1x!tpu.dma_semaphore, #tpu.memory_space<semaphore_mem>>
    %dma_start3A_17 = tpu.memref_squeeze %dma_start3A_16 : memref<1x!tpu.dma_semaphore, #tpu.memory_space<semaphore_mem>> -> memref<!tpu.dma_semaphore, #tpu.memory_space<semaphore_mem>>
    %dma_start3A_18 = arith.constant 0 : i32
    %dma_start3A_19 = arith.constant 0 : i32
    %dma_start3A_20 = arith.constant 0 : i32
    %dma_start3A_21 = tpu.memref_slice %arg6[%dma_start3A, %dma_start3A_18, %dma_start3A_19, %dma_start3A_20] : memref<2x2x128x80xf32, #tpu.memory_space<vmem>> -> memref<1x2x128x80xf32, #tpu.memory_space<vmem>>
    %dma_start3A_22 = tpu.memref_squeeze %dma_start3A_21 : memref<1x2x128x80xf32, #tpu.memory_space<vmem>> -> memref<2x128x80xf32, #tpu.memory_space<vmem>>
    %dma_start3A_23 = arith.constant 0 : i32
    %dma_start3A_24 = arith.constant 0 : i32
    %dma_start3A_25 = tpu.memref_slice %arg3[%add3A_6, %dma_start3A_23, %dma_start3A_24] : memref<2048x128x80xf32, #tpu.memory_space<hbm>> -> memref<2x128x80xf32, #tpu.memory_space<hbm>>
    tpu.enqueue_dma source(%dma_start3A_25 : memref<2x128x80xf32, #tpu.memory_space<hbm>>) target(%dma_start3A_22 : memref<2x128x80xf32, #tpu.memory_space<vmem>>) target_semaphore(%dma_start3A_17 : memref<!tpu.dma_semaphore, #tpu.memory_space<semaphore_mem>>)
    %scan3A = arith.constant 0 : i32
    %scan3A_26 = arith.constant 32 : i32
    %scan3A_27 = arith.addi %scan3A, %scan3A_26 : i32
    %scan3A_28 = arith.constant 1 : i32
    scf.for %scan3A_30 = %scan3A to %scan3A_27 step %scan3A_28  : i32 {
      %mul3A_31 = arith.constant 1 : i32
      %mul3A_32 = arith.muli %scan3A_30, %mul3A_31 : i32
      %add3A_33 = arith.constant 0 : i32
      %add3A_34 = arith.addi %add3A_33, %mul3A_32 : i32
      %rem3A = arith.constant 2 : i32
      %rem3A_35 = arith.remsi %add3A_34, %rem3A : i32
      %mul3A_36 = arith.constant 2 : i32
      %mul3A_37 = arith.muli %add3A_34, %mul3A_36 : i32
      %add3A_38 = arith.addi %mul3A_4, %mul3A_37 : i32
      %dma_wait3A = arith.constant 0 : i32
      %dma_wait3A_39 = arith.constant 0 : i32
      %dma_wait3A_40 = arith.constant 0 : i32
      %dma_wait3A_41 = tpu.memref_slice %arg6[%rem3A_35, %dma_wait3A, %dma_wait3A_39, %dma_wait3A_40] : memref<2x2x128x80xf32, #tpu.memory_space<vmem>> -> memref<1x2x128x80xf32, #tpu.memory_space<vmem>>
      %dma_wait3A_42 = tpu.memref_squeeze %dma_wait3A_41 : memref<1x2x128x80xf32, #tpu.memory_space<vmem>> -> memref<2x128x80xf32, #tpu.memory_space<vmem>>
      %dma_wait3A_43 = arith.constant 0 : i32
      %dma_wait3A_44 = arith.constant 0 : i32
      %dma_wait3A_45 = tpu.memref_slice %arg3[%add3A_38, %dma_wait3A_43, %dma_wait3A_44] : memref<2048x128x80xf32, #tpu.memory_space<hbm>> -> memref<2x128x80xf32, #tpu.memory_space<hbm>>
      %dma_wait3A_46 = tpu.memref_slice %arg10[%rem3A_35] : memref<2x!tpu.dma_semaphore, #tpu.memory_space<semaphore_mem>> -> memref<1x!tpu.dma_semaphore, #tpu.memory_space<semaphore_mem>>
      %dma_wait3A_47 = tpu.memref_squeeze %dma_wait3A_46 : memref<1x!tpu.dma_semaphore, #tpu.memory_space<semaphore_mem>> -> memref<!tpu.dma_semaphore, #tpu.memory_space<semaphore_mem>>
      %dma_wait3A_48 = arith.constant 0 : i32
      %dma_wait3A_49 = arith.constant 0 : i32
      %dma_wait3A_50 = arith.constant 0 : i32
      %dma_wait3A_51 = tpu.memref_slice %arg6[%rem3A_35, %dma_wait3A_48, %dma_wait3A_49, %dma_wait3A_50] : memref<2x2x128x80xf32, #tpu.memory_space<vmem>> -> memref<1x2x128x80xf32, #tpu.memory_space<vmem>>
      %dma_wait3A_52 = tpu.memref_squeeze %dma_wait3A_51 : memref<1x2x128x80xf32, #tpu.memory_space<vmem>> -> memref<2x128x80xf32, #tpu.memory_space<vmem>>
      %dma_wait3A_53 = arith.constant 0 : i32
      %dma_wait3A_54 = arith.constant 0 : i32
      %dma_wait3A_55 = tpu.memref_slice %arg3[%add3A_38, %dma_wait3A_53, %dma_wait3A_54] : memref<2048x128x80xf32, #tpu.memory_space<hbm>> -> memref<2x128x80xf32, #tpu.memory_space<hbm>>
      tpu.wait_dma2 semaphore(%dma_wait3A_47 : memref<!tpu.dma_semaphore, #tpu.memory_space<semaphore_mem>>) src(%dma_wait3A_55 : memref<2x128x80xf32, #tpu.memory_space<hbm>>) dst(%dma_wait3A_52 : memref<2x128x80xf32, #tpu.memory_space<vmem>>)
      %add3A_56 = arith.constant 1 : i32
      %add3A_57 = arith.addi %add3A_34, %add3A_56 : i32
      %lt3A = arith.constant 32 : i32
      %lt3A_58 = arith.cmpi slt, %add3A_57, %lt3A : i32
      %convert_element_type3A = arith.extui %lt3A_58 : i1 to i32
      %cond3A = arith.constant 0 : i32
      %cond3A_59 = arith.cmpi ne, %convert_element_type3A, %cond3A : i32
      scf.if %cond3A_59 {
        %add3A_65 = arith.constant 1 : i32
        %add3A_66 = arith.addi %add3A_34, %add3A_65 : i32
        %sub3A = arith.constant 1 : i32
        %sub3A_67 = arith.subi %sub3A, %rem3A_35 : i32
        %mul3A_68 = arith.constant 2 : i32
        %mul3A_69 = arith.muli %add3A_66, %mul3A_68 : i32
        %add3A_70 = arith.addi %mul3A_4, %mul3A_69 : i32
        %dma_start3A_71 = arith.constant 0 : i32
        %dma_start3A_72 = arith.constant 0 : i32
        %dma_start3A_73 = arith.constant 0 : i32
        %dma_start3A_74 = tpu.memref_slice %arg6[%sub3A_67, %dma_start3A_71, %dma_start3A_72, %dma_start3A_73] : memref<2x2x128x80xf32, #tpu.memory_space<vmem>> -> memref<1x2x128x80xf32, #tpu.memory_space<vmem>>
        %dma_start3A_75 = tpu.memref_squeeze %dma_start3A_74 : memref<1x2x128x80xf32, #tpu.memory_space<vmem>> -> memref<2x128x80xf32, #tpu.memory_space<vmem>>
        %dma_start3A_76 = arith.constant 0 : i32
        %dma_start3A_77 = arith.constant 0 : i32
        %dma_start3A_78 = tpu.memref_slice %arg3[%add3A_70, %dma_start3A_76, %dma_start3A_77] : memref<2048x128x80xf32, #tpu.memory_space<hbm>> -> memref<2x128x80xf32, #tpu.memory_space<hbm>>
        %dma_start3A_79 = tpu.memref_slice %arg10[%sub3A_67] : memref<2x!tpu.dma_semaphore, #tpu.memory_space<semaphore_mem>> -> memref<1x!tpu.dma_semaphore, #tpu.memory_space<semaphore_mem>>
        %dma_start3A_80 = tpu.memref_squeeze %dma_start3A_79 : memref<1x!tpu.dma_semaphore, #tpu.memory_space<semaphore_mem>> -> memref<!tpu.dma_semaphore, #tpu.memory_space<semaphore_mem>>
        %dma_start3A_81 = arith.constant 0 : i32
        %dma_start3A_82 = arith.constant 0 : i32
        %dma_start3A_83 = arith.constant 0 : i32
        %dma_start3A_84 = tpu.memref_slice %arg6[%sub3A_67, %dma_start3A_81, %dma_start3A_82, %dma_start3A_83] : memref<2x2x128x80xf32, #tpu.memory_space<vmem>> -> memref<1x2x128x80xf32, #tpu.memory_space<vmem>>
        %dma_start3A_85 = tpu.memref_squeeze %dma_start3A_84 : memref<1x2x128x80xf32, #tpu.memory_space<vmem>> -> memref<2x128x80xf32, #tpu.memory_space<vmem>>
        %dma_start3A_86 = arith.constant 0 : i32
        %dma_start3A_87 = arith.constant 0 : i32
        %dma_start3A_88 = tpu.memref_slice %arg3[%add3A_70, %dma_start3A_86, %dma_start3A_87] : memref<2048x128x80xf32, #tpu.memory_space<hbm>> -> memref<2x128x80xf32, #tpu.memory_space<hbm>>
        tpu.enqueue_dma source(%dma_start3A_88 : memref<2x128x80xf32, #tpu.memory_space<hbm>>) target(%dma_start3A_85 : memref<2x128x80xf32, #tpu.memory_space<vmem>>) target_semaphore(%dma_start3A_80 : memref<!tpu.dma_semaphore, #tpu.memory_space<semaphore_mem>>)
      } else {
      }
      %scan3A_60 = arith.constant 0 : i32
      %scan3A_61 = arith.constant 16 : i32
      %scan3A_62 = arith.addi %scan3A_60, %scan3A_61 : i32
      %scan3A_63 = arith.constant 1 : i32
      scf.for %scan3A_65 = %scan3A_60 to %scan3A_62 step %scan3A_63  : i32 {
        %mul3A_66 = arith.constant 1 : i32
        %mul3A_67 = arith.muli %scan3A_65, %mul3A_66 : i32
        %add3A_68 = arith.constant 0 : i32
        %add3A_69 = arith.addi %add3A_68, %mul3A_67 : i32
        %mul3A_70 = arith.constant 16 : i32
        %mul3A_71 = arith.muli %add3A_69, %mul3A_70 : i32
        %iota3A = tpu.iota {dimensions = array<i32: 0>} : vector<16xi32>
        %add3A_72 = vector.broadcast %mul3A_71 : i32 to vector<16xi32>
        %add3A_73 = arith.addi %add3A_72, %iota3A : vector<16xi32>
        %broadcast_in_dim3A = vector.broadcast %rem3A_35 : i32 to vector<16xi32>
        %shift_right_arithmetic3A = arith.constant 7 : i32
        %shift_right_arithmetic3A_74 = vector.broadcast %shift_right_arithmetic3A : i32 to vector<16xi32>
        %shift_right_arithmetic3A_75 = arith.shrsi %add3A_73, %shift_right_arithmetic3A_74 : vector<16xi32>
        %and3A = arith.constant 127 : i32
        %and3A_76 = vector.broadcast %and3A : i32 to vector<16xi32>
        %and3A_77 = arith.andi %add3A_73, %and3A_76 : vector<16xi32>
        %broadcast_in_dim3A_78 = arith.constant 0 : i32
        %broadcast_in_dim3A_79 = vector.broadcast %broadcast_in_dim3A_78 : i32 to vector<16xi32>
        %gather3A = tpu.vector_load_idx %arg6[%broadcast_in_dim3A, %shift_right_arithmetic3A_75, %and3A_77, %broadcast_in_dim3A_79] : memref<2x2x128x80xf32, #tpu.memory_space<vmem>>[vector<16xi32>, vector<16xi32>, vector<16xi32>, vector<16xi32>], vector<16xf32>,
        %broadcast_in_dim3A_80 = arith.constant 0 : i32
        %broadcast_in_dim3A_81 = vector.broadcast %broadcast_in_dim3A_80 : i32 to vector<16xi32>
        %broadcast_in_dim3A_82 = arith.constant 1 : i32
        %broadcast_in_dim3A_83 = vector.broadcast %broadcast_in_dim3A_82 : i32 to vector<16xi32>
        %gather3A_84 = tpu.vector_load_idx %arg6[%broadcast_in_dim3A, %shift_right_arithmetic3A_75, %and3A_77, %broadcast_in_dim3A_83] : memref<2x2x128x80xf32, #tpu.memory_space<vmem>>[vector<16xi32>, vector<16xi32>, vector<16xi32>, vector<16xi32>], vector<16xf32>,
        %broadcast_in_dim3A_85 = arith.constant 1 : i32
        %broadcast_in_dim3A_86 = vector.broadcast %broadcast_in_dim3A_85 : i32 to vector<16xi32>
        %broadcast_in_dim3A_87 = arith.constant 2 : i32
        %broadcast_in_dim3A_88 = vector.broadcast %broadcast_in_dim3A_87 : i32 to vector<16xi32>
        %gather3A_89 = tpu.vector_load_idx %arg6[%broadcast_in_dim3A, %shift_right_arithmetic3A_75, %and3A_77, %broadcast_in_dim3A_88] : memref<2x2x128x80xf32, #tpu.memory_space<vmem>>[vector<16xi32>, vector<16xi32>, vector<16xi32>, vector<16xi32>], vector<16xf32>,
        %broadcast_in_dim3A_90 = arith.constant 2 : i32
        %broadcast_in_dim3A_91 = vector.broadcast %broadcast_in_dim3A_90 : i32 to vector<16xi32>
        %broadcast_in_dim3A_92 = arith.constant 3 : i32
        %broadcast_in_dim3A_93 = vector.broadcast %broadcast_in_dim3A_92 : i32 to vector<16xi32>
        %gather3A_94 = tpu.vector_load_idx %arg6[%broadcast_in_dim3A, %shift_right_arithmetic3A_75, %and3A_77, %broadcast_in_dim3A_93] : memref<2x2x128x80xf32, #tpu.memory_space<vmem>>[vector<16xi32>, vector<16xi32>, vector<16xi32>, vector<16xi32>], vector<16xf32>,
        %broadcast_in_dim3A_95 = arith.constant 3 : i32
        %broadcast_in_dim3A_96 = vector.broadcast %broadcast_in_dim3A_95 : i32 to vector<16xi32>
        %broadcast_in_dim3A_97 = arith.constant 4 : i32
        %broadcast_in_dim3A_98 = vector.broadcast %broadcast_in_dim3A_97 : i32 to vector<16xi32>
        %gather3A_99 = tpu.vector_load_idx %arg6[%broadcast_in_dim3A, %shift_right_arithmetic3A_75, %and3A_77, %broadcast_in_dim3A_98] : memref<2x2x128x80xf32, #tpu.memory_space<vmem>>[vector<16xi32>, vector<16xi32>, vector<16xi32>, vector<16xi32>], vector<16xf32>,
        %gt3A = arith.cmpf ogt, %gather3A_99, %gather3A : vector<16xf32>
        %jit3A = arith.constant 4 : i32
        %broadcast_in_dim3A_100 = vector.broadcast %jit3A : i32 to vector<16xi32>
        %select_n3A = arith.select %gt3A, %broadcast_in_dim3A_100, %broadcast_in_dim3A_81 : vector<16xi1>, vector<16xi32>
        %select_n3A_101 = arith.select %gt3A, %gather3A_99, %gather3A : vector<16xi1>, vector<16xf32>
        %broadcast_in_dim3A_102 = arith.constant 5 : i32
        %broadcast_in_dim3A_103 = vector.broadcast %broadcast_in_dim3A_102 : i32 to vector<16xi32>
        %gather3A_104 = tpu.vector_load_idx %arg6[%broadcast_in_dim3A, %shift_right_arithmetic3A_75, %and3A_77, %broadcast_in_dim3A_103] : memref<2x2x128x80xf32, #tpu.memory_space<vmem>>[vector<16xi32>, vector<16xi32>, vector<16xi32>, vector<16xi32>], vector<16xf32>,
        %gt3A_105 = arith.cmpf ogt, %gather3A_104, %gather3A_84 : vector<16xf32>
        %jit3A_106 = arith.constant 5 : i32
        %broadcast_in_dim3A_107 = vector.broadcast %jit3A_106 : i32 to vector<16xi32>
        %select_n3A_108 = arith.select %gt3A_105, %broadcast_in_dim3A_107, %broadcast_in_dim3A_86 : vector<16xi1>, vector<16xi32>
        %select_n3A_109 = arith.select %gt3A_105, %gather3A_104, %gather3A_84 : vector<16xi1>, vector<16xf32>
        %broadcast_in_dim3A_110 = arith.constant 6 : i32
        %broadcast_in_dim3A_111 = vector.broadcast %broadcast_in_dim3A_110 : i32 to vector<16xi32>
        %gather3A_112 = tpu.vector_load_idx %arg6[%broadcast_in_dim3A, %shift_right_arithmetic3A_75, %and3A_77, %broadcast_in_dim3A_111] : memref<2x2x128x80xf32, #tpu.memory_space<vmem>>[vector<16xi32>, vector<16xi32>, vector<16xi32>, vector<16xi32>], vector<16xf32>,
        %gt3A_113 = arith.cmpf ogt, %gather3A_112, %gather3A_89 : vector<16xf32>
        %jit3A_114 = arith.constant 6 : i32
        %broadcast_in_dim3A_115 = vector.broadcast %jit3A_114 : i32 to vector<16xi32>
        %select_n3A_116 = arith.select %gt3A_113, %broadcast_in_dim3A_115, %broadcast_in_dim3A_91 : vector<16xi1>, vector<16xi32>
        %select_n3A_117 = arith.select %gt3A_113, %gather3A_112, %gather3A_89 : vector<16xi1>, vector<16xf32>
        %broadcast_in_dim3A_118 = arith.constant 7 : i32
        %broadcast_in_dim3A_119 = vector.broadcast %broadcast_in_dim3A_118 : i32 to vector<16xi32>
        %gather3A_120 = tpu.vector_load_idx %arg6[%broadcast_in_dim3A, %shift_right_arithmetic3A_75, %and3A_77, %broadcast_in_dim3A_119] : memref<2x2x128x80xf32, #tpu.memory_space<vmem>>[vector<16xi32>, vector<16xi32>, vector<16xi32>, vector<16xi32>], vector<16xf32>,
        %gt3A_121 = arith.cmpf ogt, %gather3A_120, %gather3A_94 : vector<16xf32>
        %jit3A_122 = arith.constant 7 : i32
        %broadcast_in_dim3A_123 = vector.broadcast %jit3A_122 : i32 to vector<16xi32>
        %select_n3A_124 = arith.select %gt3A_121, %broadcast_in_dim3A_123, %broadcast_in_dim3A_96 : vector<16xi1>, vector<16xi32>
        %select_n3A_125 = arith.select %gt3A_121, %gather3A_120, %gather3A_94 : vector<16xi1>, vector<16xf32>
        %broadcast_in_dim3A_126 = arith.constant 8 : i32
        %broadcast_in_dim3A_127 = vector.broadcast %broadcast_in_dim3A_126 : i32 to vector<16xi32>
        %gather3A_128 = tpu.vector_load_idx %arg6[%broadcast_in_dim3A, %shift_right_arithmetic3A_75, %and3A_77, %broadcast_in_dim3A_127] : memref<2x2x128x80xf32, #tpu.memory_space<vmem>>[vector<16xi32>, vector<16xi32>, vector<16xi32>, vector<16xi32>], vector<16xf32>,
        %gt3A_129 = arith.cmpf ogt, %gather3A_128, %select_n3A_101 : vector<16xf32>
        %jit3A_130 = arith.constant 8 : i32
        %broadcast_in_dim3A_131 = vector.broadcast %jit3A_130 : i32 to vector<16xi32>
        %select_n3A_132 = arith.select %gt3A_129, %broadcast_in_dim3A_131, %select_n3A : vector<16xi1>, vector<16xi32>
        %select_n3A_133 = arith.select %gt3A_129, %gather3A_128, %select_n3A_101 : vector<16xi1>, vector<16xf32>
        %broadcast_in_dim3A_134 = arith.constant 9 : i32
        %broadcast_in_dim3A_135 = vector.broadcast %broadcast_in_dim3A_134 : i32 to vector<16xi32>
        %gather3A_136 = tpu.vector_load_idx %arg6[%broadcast_in_dim3A, %shift_right_arithmetic3A_75, %and3A_77, %broadcast_in_dim3A_135] : memref<2x2x128x80xf32, #tpu.memory_space<vmem>>[vector<16xi32>, vector<16xi32>, vector<16xi32>, vector<16xi32>], vector<16xf32>,
        %gt3A_137 = arith.cmpf ogt, %gather3A_136, %select_n3A_109 : vector<16xf32>
        %jit3A_138 = arith.constant 9 : i32
        %broadcast_in_dim3A_139 = vector.broadcast %jit3A_138 : i32 to vector<16xi32>
        %select_n3A_140 = arith.select %gt3A_137, %broadcast_in_dim3A_139, %select_n3A_108 : vector<16xi1>, vector<16xi32>
        %select_n3A_141 = arith.select %gt3A_137, %gather3A_136, %select_n3A_109 : vector<16xi1>, vector<16xf32>
        %broadcast_in_dim3A_142 = arith.constant 10 : i32
        %broadcast_in_dim3A_143 = vector.broadcast %broadcast_in_dim3A_142 : i32 to vector<16xi32>
        %gather3A_144 = tpu.vector_load_idx %arg6[%broadcast_in_dim3A, %shift_right_arithmetic3A_75, %and3A_77, %broadcast_in_dim3A_143] : memref<2x2x128x80xf32, #tpu.memory_space<vmem>>[vector<16xi32>, vector<16xi32>, vector<16xi32>, vector<16xi32>], vector<16xf32>,
        %gt3A_145 = arith.cmpf ogt, %gather3A_144, %select_n3A_117 : vector<16xf32>
        %jit3A_146 = arith.constant 10 : i32
        %broadcast_in_dim3A_147 = vector.broadcast %jit3A_146 : i32 to vector<16xi32>
        %select_n3A_148 = arith.select %gt3A_145, %broadcast_in_dim3A_147, %select_n3A_116 : vector<16xi1>, vector<16xi32>
        %select_n3A_149 = arith.select %gt3A_145, %gather3A_144, %select_n3A_117 : vector<16xi1>, vector<16xf32>
        %broadcast_in_dim3A_150 = arith.constant 11 : i32
        %broadcast_in_dim3A_151 = vector.broadcast %broadcast_in_dim3A_150 : i32 to vector<16xi32>
        %gather3A_152 = tpu.vector_load_idx %arg6[%broadcast_in_dim3A, %shift_right_arithmetic3A_75, %and3A_77, %broadcast_in_dim3A_151] : memref<2x2x128x80xf32, #tpu.memory_space<vmem>>[vector<16xi32>, vector<16xi32>, vector<16xi32>, vector<16xi32>], vector<16xf32>,
        %gt3A_153 = arith.cmpf ogt, %gather3A_152, %select_n3A_125 : vector<16xf32>
        %jit3A_154 = arith.constant 11 : i32
        %broadcast_in_dim3A_155 = vector.broadcast %jit3A_154 : i32 to vector<16xi32>
        %select_n3A_156 = arith.select %gt3A_153, %broadcast_in_dim3A_155, %select_n3A_124 : vector<16xi1>, vector<16xi32>
        %select_n3A_157 = arith.select %gt3A_153, %gather3A_152, %select_n3A_125 : vector<16xi1>, vector<16xf32>
        %broadcast_in_dim3A_158 = arith.constant 12 : i32
        %broadcast_in_dim3A_159 = vector.broadcast %broadcast_in_dim3A_158 : i32 to vector<16xi32>
        %gather3A_160 = tpu.vector_load_idx %arg6[%broadcast_in_dim3A, %shift_right_arithmetic3A_75, %and3A_77, %broadcast_in_dim3A_159] : memref<2x2x128x80xf32, #tpu.memory_space<vmem>>[vector<16xi32>, vector<16xi32>, vector<16xi32>, vector<16xi32>], vector<16xf32>,
        %gt3A_161 = arith.cmpf ogt, %gather3A_160, %select_n3A_133 : vector<16xf32>
        %jit3A_162 = arith.constant 12 : i32
        %broadcast_in_dim3A_163 = vector.broadcast %jit3A_162 : i32 to vector<16xi32>
        %select_n3A_164 = arith.select %gt3A_161, %broadcast_in_dim3A_163, %select_n3A_132 : vector<16xi1>, vector<16xi32>
        %select_n3A_165 = arith.select %gt3A_161, %gather3A_160, %select_n3A_133 : vector<16xi1>, vector<16xf32>
        %broadcast_in_dim3A_166 = arith.constant 13 : i32
        %broadcast_in_dim3A_167 = vector.broadcast %broadcast_in_dim3A_166 : i32 to vector<16xi32>
        %gather3A_168 = tpu.vector_load_idx %arg6[%broadcast_in_dim3A, %shift_right_arithmetic3A_75, %and3A_77, %broadcast_in_dim3A_167] : memref<2x2x128x80xf32, #tpu.memory_space<vmem>>[vector<16xi32>, vector<16xi32>, vector<16xi32>, vector<16xi32>], vector<16xf32>,
        %gt3A_169 = arith.cmpf ogt, %gather3A_168, %select_n3A_141 : vector<16xf32>
        %jit3A_170 = arith.constant 13 : i32
        %broadcast_in_dim3A_171 = vector.broadcast %jit3A_170 : i32 to vector<16xi32>
        %select_n3A_172 = arith.select %gt3A_169, %broadcast_in_dim3A_171, %select_n3A_140 : vector<16xi1>, vector<16xi32>
        %select_n3A_173 = arith.select %gt3A_169, %gather3A_168, %select_n3A_141 : vector<16xi1>, vector<16xf32>
        %broadcast_in_dim3A_174 = arith.constant 14 : i32
        %broadcast_in_dim3A_175 = vector.broadcast %broadcast_in_dim3A_174 : i32 to vector<16xi32>
        %gather3A_176 = tpu.vector_load_idx %arg6[%broadcast_in_dim3A, %shift_right_arithmetic3A_75, %and3A_77, %broadcast_in_dim3A_175] : memref<2x2x128x80xf32, #tpu.memory_space<vmem>>[vector<16xi32>, vector<16xi32>, vector<16xi32>, vector<16xi32>], vector<16xf32>,
        %gt3A_177 = arith.cmpf ogt, %gather3A_176, %select_n3A_149 : vector<16xf32>
        %jit3A_178 = arith.constant 14 : i32
        %broadcast_in_dim3A_179 = vector.broadcast %jit3A_178 : i32 to vector<16xi32>
        %select_n3A_180 = arith.select %gt3A_177, %broadcast_in_dim3A_179, %select_n3A_148 : vector<16xi1>, vector<16xi32>
        %select_n3A_181 = arith.select %gt3A_177, %gather3A_176, %select_n3A_149 : vector<16xi1>, vector<16xf32>
        %broadcast_in_dim3A_182 = arith.constant 15 : i32
        %broadcast_in_dim3A_183 = vector.broadcast %broadcast_in_dim3A_182 : i32 to vector<16xi32>
        %gather3A_184 = tpu.vector_load_idx %arg6[%broadcast_in_dim3A, %shift_right_arithmetic3A_75, %and3A_77, %broadcast_in_dim3A_183] : memref<2x2x128x80xf32, #tpu.memory_space<vmem>>[vector<16xi32>, vector<16xi32>, vector<16xi32>, vector<16xi32>], vector<16xf32>,
        %gt3A_185 = arith.cmpf ogt, %gather3A_184, %select_n3A_157 : vector<16xf32>
        %jit3A_186 = arith.constant 15 : i32
        %broadcast_in_dim3A_187 = vector.broadcast %jit3A_186 : i32 to vector<16xi32>
        %select_n3A_188 = arith.select %gt3A_185, %broadcast_in_dim3A_187, %select_n3A_156 : vector<16xi1>, vector<16xi32>
        %select_n3A_189 = arith.select %gt3A_185, %gather3A_184, %select_n3A_157 : vector<16xi1>, vector<16xf32>
        %broadcast_in_dim3A_190 = arith.constant 16 : i32
        %broadcast_in_dim3A_191 = vector.broadcast %broadcast_in_dim3A_190 : i32 to vector<16xi32>
        %gather3A_192 = tpu.vector_load_idx %arg6[%broadcast_in_dim3A, %shift_right_arithmetic3A_75, %and3A_77, %broadcast_in_dim3A_191] : memref<2x2x128x80xf32, #tpu.memory_space<vmem>>[vector<16xi32>, vector<16xi32>, vector<16xi32>, vector<16xi32>], vector<16xf32>,
        %gt3A_193 = arith.cmpf ogt, %gather3A_192, %select_n3A_165 : vector<16xf32>
        %jit3A_194 = arith.constant 16 : i32
        %broadcast_in_dim3A_195 = vector.broadcast %jit3A_194 : i32 to vector<16xi32>
        %select_n3A_196 = arith.select %gt3A_193, %broadcast_in_dim3A_195, %select_n3A_164 : vector<16xi1>, vector<16xi32>
        %select_n3A_197 = arith.select %gt3A_193, %gather3A_192, %select_n3A_165 : vector<16xi1>, vector<16xf32>
        %broadcast_in_dim3A_198 = arith.constant 17 : i32
        %broadcast_in_dim3A_199 = vector.broadcast %broadcast_in_dim3A_198 : i32 to vector<16xi32>
        %gather3A_200 = tpu.vector_load_idx %arg6[%broadcast_in_dim3A, %shift_right_arithmetic3A_75, %and3A_77, %broadcast_in_dim3A_199] : memref<2x2x128x80xf32, #tpu.memory_space<vmem>>[vector<16xi32>, vector<16xi32>, vector<16xi32>, vector<16xi32>], vector<16xf32>,
        %gt3A_201 = arith.cmpf ogt, %gather3A_200, %select_n3A_173 : vector<16xf32>
        %jit3A_202 = arith.constant 17 : i32
        %broadcast_in_dim3A_203 = vector.broadcast %jit3A_202 : i32 to vector<16xi32>
        %select_n3A_204 = arith.select %gt3A_201, %broadcast_in_dim3A_203, %select_n3A_172 : vector<16xi1>, vector<16xi32>
        %select_n3A_205 = arith.select %gt3A_201, %gather3A_200, %select_n3A_173 : vector<16xi1>, vector<16xf32>
        %broadcast_in_dim3A_206 = arith.constant 18 : i32
        %broadcast_in_dim3A_207 = vector.broadcast %broadcast_in_dim3A_206 : i32 to vector<16xi32>
        %gather3A_208 = tpu.vector_load_idx %arg6[%broadcast_in_dim3A, %shift_right_arithmetic3A_75, %and3A_77, %broadcast_in_dim3A_207] : memref<2x2x128x80xf32, #tpu.memory_space<vmem>>[vector<16xi32>, vector<16xi32>, vector<16xi32>, vector<16xi32>], vector<16xf32>,
        %gt3A_209 = arith.cmpf ogt, %gather3A_208, %select_n3A_181 : vector<16xf32>
        %jit3A_210 = arith.constant 18 : i32
        %broadcast_in_dim3A_211 = vector.broadcast %jit3A_210 : i32 to vector<16xi32>
        %select_n3A_212 = arith.select %gt3A_209, %broadcast_in_dim3A_211, %select_n3A_180 : vector<16xi1>, vector<16xi32>
        %select_n3A_213 = arith.select %gt3A_209, %gather3A_208, %select_n3A_181 : vector<16xi1>, vector<16xf32>
        %broadcast_in_dim3A_214 = arith.constant 19 : i32
        %broadcast_in_dim3A_215 = vector.broadcast %broadcast_in_dim3A_214 : i32 to vector<16xi32>
        %gather3A_216 = tpu.vector_load_idx %arg6[%broadcast_in_dim3A, %shift_right_arithmetic3A_75, %and3A_77, %broadcast_in_dim3A_215] : memref<2x2x128x80xf32, #tpu.memory_space<vmem>>[vector<16xi32>, vector<16xi32>, vector<16xi32>, vector<16xi32>], vector<16xf32>,
        %gt3A_217 = arith.cmpf ogt, %gather3A_216, %select_n3A_189 : vector<16xf32>
        %jit3A_218 = arith.constant 19 : i32
        %broadcast_in_dim3A_219 = vector.broadcast %jit3A_218 : i32 to vector<16xi32>
        %select_n3A_220 = arith.select %gt3A_217, %broadcast_in_dim3A_219, %select_n3A_188 : vector<16xi1>, vector<16xi32>
        %select_n3A_221 = arith.select %gt3A_217, %gather3A_216, %select_n3A_189 : vector<16xi1>, vector<16xf32>
        %broadcast_in_dim3A_222 = arith.constant 20 : i32
        %broadcast_in_dim3A_223 = vector.broadcast %broadcast_in_dim3A_222 : i32 to vector<16xi32>
        %gather3A_224 = tpu.vector_load_idx %arg6[%broadcast_in_dim3A, %shift_right_arithmetic3A_75, %and3A_77, %broadcast_in_dim3A_223] : memref<2x2x128x80xf32, #tpu.memory_space<vmem>>[vector<16xi32>, vector<16xi32>, vector<16xi32>, vector<16xi32>], vector<16xf32>,
        %gt3A_225 = arith.cmpf ogt, %gather3A_224, %select_n3A_197 : vector<16xf32>
        %jit3A_226 = arith.constant 20 : i32
        %broadcast_in_dim3A_227 = vector.broadcast %jit3A_226 : i32 to vector<16xi32>
        %select_n3A_228 = arith.select %gt3A_225, %broadcast_in_dim3A_227, %select_n3A_196 : vector<16xi1>, vector<16xi32>
        %select_n3A_229 = arith.select %gt3A_225, %gather3A_224, %select_n3A_197 : vector<16xi1>, vector<16xf32>
        %broadcast_in_dim3A_230 = arith.constant 21 : i32
        %broadcast_in_dim3A_231 = vector.broadcast %broadcast_in_dim3A_230 : i32 to vector<16xi32>
        %gather3A_232 = tpu.vector_load_idx %arg6[%broadcast_in_dim3A, %shift_right_arithmetic3A_75, %and3A_77, %broadcast_in_dim3A_231] : memref<2x2x128x80xf32, #tpu.memory_space<vmem>>[vector<16xi32>, vector<16xi32>, vector<16xi32>, vector<16xi32>], vector<16xf32>,
        %gt3A_233 = arith.cmpf ogt, %gather3A_232, %select_n3A_205 : vector<16xf32>
        %jit3A_234 = arith.constant 21 : i32
        %broadcast_in_dim3A_235 = vector.broadcast %jit3A_234 : i32 to vector<16xi32>
        %select_n3A_236 = arith.select %gt3A_233, %broadcast_in_dim3A_235, %select_n3A_204 : vector<16xi1>, vector<16xi32>
        %select_n3A_237 = arith.select %gt3A_233, %gather3A_232, %select_n3A_205 : vector<16xi1>, vector<16xf32>
        %broadcast_in_dim3A_238 = arith.constant 22 : i32
        %broadcast_in_dim3A_239 = vector.broadcast %broadcast_in_dim3A_238 : i32 to vector<16xi32>
        %gather3A_240 = tpu.vector_load_idx %arg6[%broadcast_in_dim3A, %shift_right_arithmetic3A_75, %and3A_77, %broadcast_in_dim3A_239] : memref<2x2x128x80xf32, #tpu.memory_space<vmem>>[vector<16xi32>, vector<16xi32>, vector<16xi32>, vector<16xi32>], vector<16xf32>,
        %gt3A_241 = arith.cmpf ogt, %gather3A_240, %select_n3A_213 : vector<16xf32>
        %jit3A_242 = arith.constant 22 : i32
        %broadcast_in_dim3A_243 = vector.broadcast %jit3A_242 : i32 to vector<16xi32>
        %select_n3A_244 = arith.select %gt3A_241, %broadcast_in_dim3A_243, %select_n3A_212 : vector<16xi1>, vector<16xi32>
        %select_n3A_245 = arith.select %gt3A_241, %gather3A_240, %select_n3A_213 : vector<16xi1>, vector<16xf32>
        %broadcast_in_dim3A_246 = arith.constant 23 : i32
        %broadcast_in_dim3A_247 = vector.broadcast %broadcast_in_dim3A_246 : i32 to vector<16xi32>
        %gather3A_248 = tpu.vector_load_idx %arg6[%broadcast_in_dim3A, %shift_right_arithmetic3A_75, %and3A_77, %broadcast_in_dim3A_247] : memref<2x2x128x80xf32, #tpu.memory_space<vmem>>[vector<16xi32>, vector<16xi32>, vector<16xi32>, vector<16xi32>], vector<16xf32>,
        %gt3A_249 = arith.cmpf ogt, %gather3A_248, %select_n3A_221 : vector<16xf32>
        %jit3A_250 = arith.constant 23 : i32
        %broadcast_in_dim3A_251 = vector.broadcast %jit3A_250 : i32 to vector<16xi32>
        %select_n3A_252 = arith.select %gt3A_249, %broadcast_in_dim3A_251, %select_n3A_220 : vector<16xi1>, vector<16xi32>
        %select_n3A_253 = arith.select %gt3A_249, %gather3A_248, %select_n3A_221 : vector<16xi1>, vector<16xf32>
        %broadcast_in_dim3A_254 = arith.constant 24 : i32
        %broadcast_in_dim3A_255 = vector.broadcast %broadcast_in_dim3A_254 : i32 to vector<16xi32>
        %gather3A_256 = tpu.vector_load_idx %arg6[%broadcast_in_dim3A, %shift_right_arithmetic3A_75, %and3A_77, %broadcast_in_dim3A_255] : memref<2x2x128x80xf32, #tpu.memory_space<vmem>>[vector<16xi32>, vector<16xi32>, vector<16xi32>, vector<16xi32>], vector<16xf32>,
        %gt3A_257 = arith.cmpf ogt, %gather3A_256, %select_n3A_229 : vector<16xf32>
        %jit3A_258 = arith.constant 24 : i32
        %broadcast_in_dim3A_259 = vector.broadcast %jit3A_258 : i32 to vector<16xi32>
        %select_n3A_260 = arith.select %gt3A_257, %broadcast_in_dim3A_259, %select_n3A_228 : vector<16xi1>, vector<16xi32>
        %select_n3A_261 = arith.select %gt3A_257, %gather3A_256, %select_n3A_229 : vector<16xi1>, vector<16xf32>
        %broadcast_in_dim3A_262 = arith.constant 25 : i32
        %broadcast_in_dim3A_263 = vector.broadcast %broadcast_in_dim3A_262 : i32 to vector<16xi32>
        %gather3A_264 = tpu.vector_load_idx %arg6[%broadcast_in_dim3A, %shift_right_arithmetic3A_75, %and3A_77, %broadcast_in_dim3A_263] : memref<2x2x128x80xf32, #tpu.memory_space<vmem>>[vector<16xi32>, vector<16xi32>, vector<16xi32>, vector<16xi32>], vector<16xf32>,
        %gt3A_265 = arith.cmpf ogt, %gather3A_264, %select_n3A_237 : vector<16xf32>
        %jit3A_266 = arith.constant 25 : i32
        %broadcast_in_dim3A_267 = vector.broadcast %jit3A_266 : i32 to vector<16xi32>
        %select_n3A_268 = arith.select %gt3A_265, %broadcast_in_dim3A_267, %select_n3A_236 : vector<16xi1>, vector<16xi32>
        %select_n3A_269 = arith.select %gt3A_265, %gather3A_264, %select_n3A_237 : vector<16xi1>, vector<16xf32>
        %broadcast_in_dim3A_270 = arith.constant 26 : i32
        %broadcast_in_dim3A_271 = vector.broadcast %broadcast_in_dim3A_270 : i32 to vector<16xi32>
        %gather3A_272 = tpu.vector_load_idx %arg6[%broadcast_in_dim3A, %shift_right_arithmetic3A_75, %and3A_77, %broadcast_in_dim3A_271] : memref<2x2x128x80xf32, #tpu.memory_space<vmem>>[vector<16xi32>, vector<16xi32>, vector<16xi32>, vector<16xi32>], vector<16xf32>,
        %gt3A_273 = arith.cmpf ogt, %gather3A_272, %select_n3A_245 : vector<16xf32>
        %jit3A_274 = arith.constant 26 : i32
        %broadcast_in_dim3A_275 = vector.broadcast %jit3A_274 : i32 to vector<16xi32>
        %select_n3A_276 = arith.select %gt3A_273, %broadcast_in_dim3A_275, %select_n3A_244 : vector<16xi1>, vector<16xi32>
        %select_n3A_277 = arith.select %gt3A_273, %gather3A_272, %select_n3A_245 : vector<16xi1>, vector<16xf32>
        %broadcast_in_dim3A_278 = arith.constant 27 : i32
        %broadcast_in_dim3A_279 = vector.broadcast %broadcast_in_dim3A_278 : i32 to vector<16xi32>
        %gather3A_280 = tpu.vector_load_idx %arg6[%broadcast_in_dim3A, %shift_right_arithmetic3A_75, %and3A_77, %broadcast_in_dim3A_279] : memref<2x2x128x80xf32, #tpu.memory_space<vmem>>[vector<16xi32>, vector<16xi32>, vector<16xi32>, vector<16xi32>], vector<16xf32>,
        %gt3A_281 = arith.cmpf ogt, %gather3A_280, %select_n3A_253 : vector<16xf32>
        %jit3A_282 = arith.constant 27 : i32
        %broadcast_in_dim3A_283 = vector.broadcast %jit3A_282 : i32 to vector<16xi32>
        %select_n3A_284 = arith.select %gt3A_281, %broadcast_in_dim3A_283, %select_n3A_252 : vector<16xi1>, vector<16xi32>
        %select_n3A_285 = arith.select %gt3A_281, %gather3A_280, %select_n3A_253 : vector<16xi1>, vector<16xf32>
        %broadcast_in_dim3A_286 = arith.constant 28 : i32
        %broadcast_in_dim3A_287 = vector.broadcast %broadcast_in_dim3A_286 : i32 to vector<16xi32>
        %gather3A_288 = tpu.vector_load_idx %arg6[%broadcast_in_dim3A, %shift_right_arithmetic3A_75, %and3A_77, %broadcast_in_dim3A_287] : memref<2x2x128x80xf32, #tpu.memory_space<vmem>>[vector<16xi32>, vector<16xi32>, vector<16xi32>, vector<16xi32>], vector<16xf32>,
        %gt3A_289 = arith.cmpf ogt, %gather3A_288, %select_n3A_261 : vector<16xf32>
        %jit3A_290 = arith.constant 28 : i32
        %broadcast_in_dim3A_291 = vector.broadcast %jit3A_290 : i32 to vector<16xi32>
        %select_n3A_292 = arith.select %gt3A_289, %broadcast_in_dim3A_291, %select_n3A_260 : vector<16xi1>, vector<16xi32>
        %select_n3A_293 = arith.select %gt3A_289, %gather3A_288, %select_n3A_261 : vector<16xi1>, vector<16xf32>
        %broadcast_in_dim3A_294 = arith.constant 29 : i32
        %broadcast_in_dim3A_295 = vector.broadcast %broadcast_in_dim3A_294 : i32 to vector<16xi32>
        %gather3A_296 = tpu.vector_load_idx %arg6[%broadcast_in_dim3A, %shift_right_arithmetic3A_75, %and3A_77, %broadcast_in_dim3A_295] : memref<2x2x128x80xf32, #tpu.memory_space<vmem>>[vector<16xi32>, vector<16xi32>, vector<16xi32>, vector<16xi32>], vector<16xf32>,
        %gt3A_297 = arith.cmpf ogt, %gather3A_296, %select_n3A_269 : vector<16xf32>
        %jit3A_298 = arith.constant 29 : i32
        %broadcast_in_dim3A_299 = vector.broadcast %jit3A_298 : i32 to vector<16xi32>
        %select_n3A_300 = arith.select %gt3A_297, %broadcast_in_dim3A_299, %select_n3A_268 : vector<16xi1>, vector<16xi32>
        %select_n3A_301 = arith.select %gt3A_297, %gather3A_296, %select_n3A_269 : vector<16xi1>, vector<16xf32>
        %broadcast_in_dim3A_302 = arith.constant 30 : i32
        %broadcast_in_dim3A_303 = vector.broadcast %broadcast_in_dim3A_302 : i32 to vector<16xi32>
        %gather3A_304 = tpu.vector_load_idx %arg6[%broadcast_in_dim3A, %shift_right_arithmetic3A_75, %and3A_77, %broadcast_in_dim3A_303] : memref<2x2x128x80xf32, #tpu.memory_space<vmem>>[vector<16xi32>, vector<16xi32>, vector<16xi32>, vector<16xi32>], vector<16xf32>,
        %gt3A_305 = arith.cmpf ogt, %gather3A_304, %select_n3A_277 : vector<16xf32>
        %jit3A_306 = arith.constant 30 : i32
        %broadcast_in_dim3A_307 = vector.broadcast %jit3A_306 : i32 to vector<16xi32>
        %select_n3A_308 = arith.select %gt3A_305, %broadcast_in_dim3A_307, %select_n3A_276 : vector<16xi1>, vector<16xi32>
        %select_n3A_309 = arith.select %gt3A_305, %gather3A_304, %select_n3A_277 : vector<16xi1>, vector<16xf32>
        %broadcast_in_dim3A_310 = arith.constant 31 : i32
        %broadcast_in_dim3A_311 = vector.broadcast %broadcast_in_dim3A_310 : i32 to vector<16xi32>
        %gather3A_312 = tpu.vector_load_idx %arg6[%broadcast_in_dim3A, %shift_right_arithmetic3A_75, %and3A_77, %broadcast_in_dim3A_311] : memref<2x2x128x80xf32, #tpu.memory_space<vmem>>[vector<16xi32>, vector<16xi32>, vector<16xi32>, vector<16xi32>], vector<16xf32>,
        %gt3A_313 = arith.cmpf ogt, %gather3A_312, %select_n3A_285 : vector<16xf32>
        %jit3A_314 = arith.constant 31 : i32
        %broadcast_in_dim3A_315 = vector.broadcast %jit3A_314 : i32 to vector<16xi32>
        %select_n3A_316 = arith.select %gt3A_313, %broadcast_in_dim3A_315, %select_n3A_284 : vector<16xi1>, vector<16xi32>
        %select_n3A_317 = arith.select %gt3A_313, %gather3A_312, %select_n3A_285 : vector<16xi1>, vector<16xf32>
        %broadcast_in_dim3A_318 = arith.constant 32 : i32
        %broadcast_in_dim3A_319 = vector.broadcast %broadcast_in_dim3A_318 : i32 to vector<16xi32>
        %gather3A_320 = tpu.vector_load_idx %arg6[%broadcast_in_dim3A, %shift_right_arithmetic3A_75, %and3A_77, %broadcast_in_dim3A_319] : memref<2x2x128x80xf32, #tpu.memory_space<vmem>>[vector<16xi32>, vector<16xi32>, vector<16xi32>, vector<16xi32>], vector<16xf32>,
        %gt3A_321 = arith.cmpf ogt, %gather3A_320, %select_n3A_293 : vector<16xf32>
        %jit3A_322 = arith.constant 32 : i32
        %broadcast_in_dim3A_323 = vector.broadcast %jit3A_322 : i32 to vector<16xi32>
        %select_n3A_324 = arith.select %gt3A_321, %broadcast_in_dim3A_323, %select_n3A_292 : vector<16xi1>, vector<16xi32>
        %select_n3A_325 = arith.select %gt3A_321, %gather3A_320, %select_n3A_293 : vector<16xi1>, vector<16xf32>
        %broadcast_in_dim3A_326 = arith.constant 33 : i32
        %broadcast_in_dim3A_327 = vector.broadcast %broadcast_in_dim3A_326 : i32 to vector<16xi32>
        %gather3A_328 = tpu.vector_load_idx %arg6[%broadcast_in_dim3A, %shift_right_arithmetic3A_75, %and3A_77, %broadcast_in_dim3A_327] : memref<2x2x128x80xf32, #tpu.memory_space<vmem>>[vector<16xi32>, vector<16xi32>, vector<16xi32>, vector<16xi32>], vector<16xf32>,
        %gt3A_329 = arith.cmpf ogt, %gather3A_328, %select_n3A_301 : vector<16xf32>
        %jit3A_330 = arith.constant 33 : i32
        %broadcast_in_dim3A_331 = vector.broadcast %jit3A_330 : i32 to vector<16xi32>
        %select_n3A_332 = arith.select %gt3A_329, %broadcast_in_dim3A_331, %select_n3A_300 : vector<16xi1>, vector<16xi32>
        %select_n3A_333 = arith.select %gt3A_329, %gather3A_328, %select_n3A_301 : vector<16xi1>, vector<16xf32>
        %broadcast_in_dim3A_334 = arith.constant 34 : i32
        %broadcast_in_dim3A_335 = vector.broadcast %broadcast_in_dim3A_334 : i32 to vector<16xi32>
        %gather3A_336 = tpu.vector_load_idx %arg6[%broadcast_in_dim3A, %shift_right_arithmetic3A_75, %and3A_77, %broadcast_in_dim3A_335] : memref<2x2x128x80xf32, #tpu.memory_space<vmem>>[vector<16xi32>, vector<16xi32>, vector<16xi32>, vector<16xi32>], vector<16xf32>,
        %gt3A_337 = arith.cmpf ogt, %gather3A_336, %select_n3A_309 : vector<16xf32>
        %jit3A_338 = arith.constant 34 : i32
        %broadcast_in_dim3A_339 = vector.broadcast %jit3A_338 : i32 to vector<16xi32>
        %select_n3A_340 = arith.select %gt3A_337, %broadcast_in_dim3A_339, %select_n3A_308 : vector<16xi1>, vector<16xi32>
        %select_n3A_341 = arith.select %gt3A_337, %gather3A_336, %select_n3A_309 : vector<16xi1>, vector<16xf32>
        %broadcast_in_dim3A_342 = arith.constant 35 : i32
        %broadcast_in_dim3A_343 = vector.broadcast %broadcast_in_dim3A_342 : i32 to vector<16xi32>
        %gather3A_344 = tpu.vector_load_idx %arg6[%broadcast_in_dim3A, %shift_right_arithmetic3A_75, %and3A_77, %broadcast_in_dim3A_343] : memref<2x2x128x80xf32, #tpu.memory_space<vmem>>[vector<16xi32>, vector<16xi32>, vector<16xi32>, vector<16xi32>], vector<16xf32>,
        %gt3A_345 = arith.cmpf ogt, %gather3A_344, %select_n3A_317 : vector<16xf32>
        %jit3A_346 = arith.constant 35 : i32
        %broadcast_in_dim3A_347 = vector.broadcast %jit3A_346 : i32 to vector<16xi32>
        %select_n3A_348 = arith.select %gt3A_345, %broadcast_in_dim3A_347, %select_n3A_316 : vector<16xi1>, vector<16xi32>
        %select_n3A_349 = arith.select %gt3A_345, %gather3A_344, %select_n3A_317 : vector<16xi1>, vector<16xf32>
        %broadcast_in_dim3A_350 = arith.constant 36 : i32
        %broadcast_in_dim3A_351 = vector.broadcast %broadcast_in_dim3A_350 : i32 to vector<16xi32>
        %gather3A_352 = tpu.vector_load_idx %arg6[%broadcast_in_dim3A, %shift_right_arithmetic3A_75, %and3A_77, %broadcast_in_dim3A_351] : memref<2x2x128x80xf32, #tpu.memory_space<vmem>>[vector<16xi32>, vector<16xi32>, vector<16xi32>, vector<16xi32>], vector<16xf32>,
        %gt3A_353 = arith.cmpf ogt, %gather3A_352, %select_n3A_325 : vector<16xf32>
        %jit3A_354 = arith.constant 36 : i32
        %broadcast_in_dim3A_355 = vector.broadcast %jit3A_354 : i32 to vector<16xi32>
        %select_n3A_356 = arith.select %gt3A_353, %broadcast_in_dim3A_355, %select_n3A_324 : vector<16xi1>, vector<16xi32>
        %select_n3A_357 = arith.select %gt3A_353, %gather3A_352, %select_n3A_325 : vector<16xi1>, vector<16xf32>
        %broadcast_in_dim3A_358 = arith.constant 37 : i32
        %broadcast_in_dim3A_359 = vector.broadcast %broadcast_in_dim3A_358 : i32 to vector<16xi32>
        %gather3A_360 = tpu.vector_load_idx %arg6[%broadcast_in_dim3A, %shift_right_arithmetic3A_75, %and3A_77, %broadcast_in_dim3A_359] : memref<2x2x128x80xf32, #tpu.memory_space<vmem>>[vector<16xi32>, vector<16xi32>, vector<16xi32>, vector<16xi32>], vector<16xf32>,
        %gt3A_361 = arith.cmpf ogt, %gather3A_360, %select_n3A_333 : vector<16xf32>
        %jit3A_362 = arith.constant 37 : i32
        %broadcast_in_dim3A_363 = vector.broadcast %jit3A_362 : i32 to vector<16xi32>
        %select_n3A_364 = arith.select %gt3A_361, %broadcast_in_dim3A_363, %select_n3A_332 : vector<16xi1>, vector<16xi32>
        %select_n3A_365 = arith.select %gt3A_361, %gather3A_360, %select_n3A_333 : vector<16xi1>, vector<16xf32>
        %broadcast_in_dim3A_366 = arith.constant 38 : i32
        %broadcast_in_dim3A_367 = vector.broadcast %broadcast_in_dim3A_366 : i32 to vector<16xi32>
        %gather3A_368 = tpu.vector_load_idx %arg6[%broadcast_in_dim3A, %shift_right_arithmetic3A_75, %and3A_77, %broadcast_in_dim3A_367] : memref<2x2x128x80xf32, #tpu.memory_space<vmem>>[vector<16xi32>, vector<16xi32>, vector<16xi32>, vector<16xi32>], vector<16xf32>,
        %gt3A_369 = arith.cmpf ogt, %gather3A_368, %select_n3A_341 : vector<16xf32>
        %jit3A_370 = arith.constant 38 : i32
        %broadcast_in_dim3A_371 = vector.broadcast %jit3A_370 : i32 to vector<16xi32>
        %select_n3A_372 = arith.select %gt3A_369, %broadcast_in_dim3A_371, %select_n3A_340 : vector<16xi1>, vector<16xi32>
        %select_n3A_373 = arith.select %gt3A_369, %gather3A_368, %select_n3A_341 : vector<16xi1>, vector<16xf32>
        %broadcast_in_dim3A_374 = arith.constant 39 : i32
        %broadcast_in_dim3A_375 = vector.broadcast %broadcast_in_dim3A_374 : i32 to vector<16xi32>
        %gather3A_376 = tpu.vector_load_idx %arg6[%broadcast_in_dim3A, %shift_right_arithmetic3A_75, %and3A_77, %broadcast_in_dim3A_375] : memref<2x2x128x80xf32, #tpu.memory_space<vmem>>[vector<16xi32>, vector<16xi32>, vector<16xi32>, vector<16xi32>], vector<16xf32>,
        %gt3A_377 = arith.cmpf ogt, %gather3A_376, %select_n3A_349 : vector<16xf32>
        %jit3A_378 = arith.constant 39 : i32
        %broadcast_in_dim3A_379 = vector.broadcast %jit3A_378 : i32 to vector<16xi32>
        %select_n3A_380 = arith.select %gt3A_377, %broadcast_in_dim3A_379, %select_n3A_348 : vector<16xi1>, vector<16xi32>
        %select_n3A_381 = arith.select %gt3A_377, %gather3A_376, %select_n3A_349 : vector<16xi1>, vector<16xf32>
        %broadcast_in_dim3A_382 = arith.constant 40 : i32
        %broadcast_in_dim3A_383 = vector.broadcast %broadcast_in_dim3A_382 : i32 to vector<16xi32>
        %gather3A_384 = tpu.vector_load_idx %arg6[%broadcast_in_dim3A, %shift_right_arithmetic3A_75, %and3A_77, %broadcast_in_dim3A_383] : memref<2x2x128x80xf32, #tpu.memory_space<vmem>>[vector<16xi32>, vector<16xi32>, vector<16xi32>, vector<16xi32>], vector<16xf32>,
        %gt3A_385 = arith.cmpf ogt, %gather3A_384, %select_n3A_357 : vector<16xf32>
        %jit3A_386 = arith.constant 40 : i32
        %broadcast_in_dim3A_387 = vector.broadcast %jit3A_386 : i32 to vector<16xi32>
        %select_n3A_388 = arith.select %gt3A_385, %broadcast_in_dim3A_387, %select_n3A_356 : vector<16xi1>, vector<16xi32>
        %select_n3A_389 = arith.select %gt3A_385, %gather3A_384, %select_n3A_357 : vector<16xi1>, vector<16xf32>
        %broadcast_in_dim3A_390 = arith.constant 41 : i32
        %broadcast_in_dim3A_391 = vector.broadcast %broadcast_in_dim3A_390 : i32 to vector<16xi32>
        %gather3A_392 = tpu.vector_load_idx %arg6[%broadcast_in_dim3A, %shift_right_arithmetic3A_75, %and3A_77, %broadcast_in_dim3A_391] : memref<2x2x128x80xf32, #tpu.memory_space<vmem>>[vector<16xi32>, vector<16xi32>, vector<16xi32>, vector<16xi32>], vector<16xf32>,
        %gt3A_393 = arith.cmpf ogt, %gather3A_392, %select_n3A_365 : vector<16xf32>
        %jit3A_394 = arith.constant 41 : i32
        %broadcast_in_dim3A_395 = vector.broadcast %jit3A_394 : i32 to vector<16xi32>
        %select_n3A_396 = arith.select %gt3A_393, %broadcast_in_dim3A_395, %select_n3A_364 : vector<16xi1>, vector<16xi32>
        %select_n3A_397 = arith.select %gt3A_393, %gather3A_392, %select_n3A_365 : vector<16xi1>, vector<16xf32>
        %broadcast_in_dim3A_398 = arith.constant 42 : i32
        %broadcast_in_dim3A_399 = vector.broadcast %broadcast_in_dim3A_398 : i32 to vector<16xi32>
        %gather3A_400 = tpu.vector_load_idx %arg6[%broadcast_in_dim3A, %shift_right_arithmetic3A_75, %and3A_77, %broadcast_in_dim3A_399] : memref<2x2x128x80xf32, #tpu.memory_space<vmem>>[vector<16xi32>, vector<16xi32>, vector<16xi32>, vector<16xi32>], vector<16xf32>,
        %gt3A_401 = arith.cmpf ogt, %gather3A_400, %select_n3A_373 : vector<16xf32>
        %jit3A_402 = arith.constant 42 : i32
        %broadcast_in_dim3A_403 = vector.broadcast %jit3A_402 : i32 to vector<16xi32>
        %select_n3A_404 = arith.select %gt3A_401, %broadcast_in_dim3A_403, %select_n3A_372 : vector<16xi1>, vector<16xi32>
        %select_n3A_405 = arith.select %gt3A_401, %gather3A_400, %select_n3A_373 : vector<16xi1>, vector<16xf32>
        %broadcast_in_dim3A_406 = arith.constant 43 : i32
        %broadcast_in_dim3A_407 = vector.broadcast %broadcast_in_dim3A_406 : i32 to vector<16xi32>
        %gather3A_408 = tpu.vector_load_idx %arg6[%broadcast_in_dim3A, %shift_right_arithmetic3A_75, %and3A_77, %broadcast_in_dim3A_407] : memref<2x2x128x80xf32, #tpu.memory_space<vmem>>[vector<16xi32>, vector<16xi32>, vector<16xi32>, vector<16xi32>], vector<16xf32>,
        %gt3A_409 = arith.cmpf ogt, %gather3A_408, %select_n3A_381 : vector<16xf32>
        %jit3A_410 = arith.constant 43 : i32
        %broadcast_in_dim3A_411 = vector.broadcast %jit3A_410 : i32 to vector<16xi32>
        %select_n3A_412 = arith.select %gt3A_409, %broadcast_in_dim3A_411, %select_n3A_380 : vector<16xi1>, vector<16xi32>
        %select_n3A_413 = arith.select %gt3A_409, %gather3A_408, %select_n3A_381 : vector<16xi1>, vector<16xf32>
        %broadcast_in_dim3A_414 = arith.constant 44 : i32
        %broadcast_in_dim3A_415 = vector.broadcast %broadcast_in_dim3A_414 : i32 to vector<16xi32>
        %gather3A_416 = tpu.vector_load_idx %arg6[%broadcast_in_dim3A, %shift_right_arithmetic3A_75, %and3A_77, %broadcast_in_dim3A_415] : memref<2x2x128x80xf32, #tpu.memory_space<vmem>>[vector<16xi32>, vector<16xi32>, vector<16xi32>, vector<16xi32>], vector<16xf32>,
        %gt3A_417 = arith.cmpf ogt, %gather3A_416, %select_n3A_389 : vector<16xf32>
        %jit3A_418 = arith.constant 44 : i32
        %broadcast_in_dim3A_419 = vector.broadcast %jit3A_418 : i32 to vector<16xi32>
        %select_n3A_420 = arith.select %gt3A_417, %broadcast_in_dim3A_419, %select_n3A_388 : vector<16xi1>, vector<16xi32>
        %select_n3A_421 = arith.select %gt3A_417, %gather3A_416, %select_n3A_389 : vector<16xi1>, vector<16xf32>
        %broadcast_in_dim3A_422 = arith.constant 45 : i32
        %broadcast_in_dim3A_423 = vector.broadcast %broadcast_in_dim3A_422 : i32 to vector<16xi32>
        %gather3A_424 = tpu.vector_load_idx %arg6[%broadcast_in_dim3A, %shift_right_arithmetic3A_75, %and3A_77, %broadcast_in_dim3A_423] : memref<2x2x128x80xf32, #tpu.memory_space<vmem>>[vector<16xi32>, vector<16xi32>, vector<16xi32>, vector<16xi32>], vector<16xf32>,
        %gt3A_425 = arith.cmpf ogt, %gather3A_424, %select_n3A_397 : vector<16xf32>
        %jit3A_426 = arith.constant 45 : i32
        %broadcast_in_dim3A_427 = vector.broadcast %jit3A_426 : i32 to vector<16xi32>
        %select_n3A_428 = arith.select %gt3A_425, %broadcast_in_dim3A_427, %select_n3A_396 : vector<16xi1>, vector<16xi32>
        %select_n3A_429 = arith.select %gt3A_425, %gather3A_424, %select_n3A_397 : vector<16xi1>, vector<16xf32>
        %broadcast_in_dim3A_430 = arith.constant 46 : i32
        %broadcast_in_dim3A_431 = vector.broadcast %broadcast_in_dim3A_430 : i32 to vector<16xi32>
        %gather3A_432 = tpu.vector_load_idx %arg6[%broadcast_in_dim3A, %shift_right_arithmetic3A_75, %and3A_77, %broadcast_in_dim3A_431] : memref<2x2x128x80xf32, #tpu.memory_space<vmem>>[vector<16xi32>, vector<16xi32>, vector<16xi32>, vector<16xi32>], vector<16xf32>,
        %gt3A_433 = arith.cmpf ogt, %gather3A_432, %select_n3A_405 : vector<16xf32>
        %jit3A_434 = arith.constant 46 : i32
        %broadcast_in_dim3A_435 = vector.broadcast %jit3A_434 : i32 to vector<16xi32>
        %select_n3A_436 = arith.select %gt3A_433, %broadcast_in_dim3A_435, %select_n3A_404 : vector<16xi1>, vector<16xi32>
        %select_n3A_437 = arith.select %gt3A_433, %gather3A_432, %select_n3A_405 : vector<16xi1>, vector<16xf32>
        %broadcast_in_dim3A_438 = arith.constant 47 : i32
        %broadcast_in_dim3A_439 = vector.broadcast %broadcast_in_dim3A_438 : i32 to vector<16xi32>
        %gather3A_440 = tpu.vector_load_idx %arg6[%broadcast_in_dim3A, %shift_right_arithmetic3A_75, %and3A_77, %broadcast_in_dim3A_439] : memref<2x2x128x80xf32, #tpu.memory_space<vmem>>[vector<16xi32>, vector<16xi32>, vector<16xi32>, vector<16xi32>], vector<16xf32>,
        %gt3A_441 = arith.cmpf ogt, %gather3A_440, %select_n3A_413 : vector<16xf32>
        %jit3A_442 = arith.constant 47 : i32
        %broadcast_in_dim3A_443 = vector.broadcast %jit3A_442 : i32 to vector<16xi32>
        %select_n3A_444 = arith.select %gt3A_441, %broadcast_in_dim3A_443, %select_n3A_412 : vector<16xi1>, vector<16xi32>
        %select_n3A_445 = arith.select %gt3A_441, %gather3A_440, %select_n3A_413 : vector<16xi1>, vector<16xf32>
        %broadcast_in_dim3A_446 = arith.constant 48 : i32
        %broadcast_in_dim3A_447 = vector.broadcast %broadcast_in_dim3A_446 : i32 to vector<16xi32>
        %gather3A_448 = tpu.vector_load_idx %arg6[%broadcast_in_dim3A, %shift_right_arithmetic3A_75, %and3A_77, %broadcast_in_dim3A_447] : memref<2x2x128x80xf32, #tpu.memory_space<vmem>>[vector<16xi32>, vector<16xi32>, vector<16xi32>, vector<16xi32>], vector<16xf32>,
        %gt3A_449 = arith.cmpf ogt, %gather3A_448, %select_n3A_421 : vector<16xf32>
        %jit3A_450 = arith.constant 48 : i32
        %broadcast_in_dim3A_451 = vector.broadcast %jit3A_450 : i32 to vector<16xi32>
        %select_n3A_452 = arith.select %gt3A_449, %broadcast_in_dim3A_451, %select_n3A_420 : vector<16xi1>, vector<16xi32>
        %select_n3A_453 = arith.select %gt3A_449, %gather3A_448, %select_n3A_421 : vector<16xi1>, vector<16xf32>
        %broadcast_in_dim3A_454 = arith.constant 49 : i32
        %broadcast_in_dim3A_455 = vector.broadcast %broadcast_in_dim3A_454 : i32 to vector<16xi32>
        %gather3A_456 = tpu.vector_load_idx %arg6[%broadcast_in_dim3A, %shift_right_arithmetic3A_75, %and3A_77, %broadcast_in_dim3A_455] : memref<2x2x128x80xf32, #tpu.memory_space<vmem>>[vector<16xi32>, vector<16xi32>, vector<16xi32>, vector<16xi32>], vector<16xf32>,
        %gt3A_457 = arith.cmpf ogt, %gather3A_456, %select_n3A_429 : vector<16xf32>
        %jit3A_458 = arith.constant 49 : i32
        %broadcast_in_dim3A_459 = vector.broadcast %jit3A_458 : i32 to vector<16xi32>
        %select_n3A_460 = arith.select %gt3A_457, %broadcast_in_dim3A_459, %select_n3A_428 : vector<16xi1>, vector<16xi32>
        %select_n3A_461 = arith.select %gt3A_457, %gather3A_456, %select_n3A_429 : vector<16xi1>, vector<16xf32>
        %broadcast_in_dim3A_462 = arith.constant 50 : i32
        %broadcast_in_dim3A_463 = vector.broadcast %broadcast_in_dim3A_462 : i32 to vector<16xi32>
        %gather3A_464 = tpu.vector_load_idx %arg6[%broadcast_in_dim3A, %shift_right_arithmetic3A_75, %and3A_77, %broadcast_in_dim3A_463] : memref<2x2x128x80xf32, #tpu.memory_space<vmem>>[vector<16xi32>, vector<16xi32>, vector<16xi32>, vector<16xi32>], vector<16xf32>,
        %gt3A_465 = arith.cmpf ogt, %gather3A_464, %select_n3A_437 : vector<16xf32>
        %jit3A_466 = arith.constant 50 : i32
        %broadcast_in_dim3A_467 = vector.broadcast %jit3A_466 : i32 to vector<16xi32>
        %select_n3A_468 = arith.select %gt3A_465, %broadcast_in_dim3A_467, %select_n3A_436 : vector<16xi1>, vector<16xi32>
        %select_n3A_469 = arith.select %gt3A_465, %gather3A_464, %select_n3A_437 : vector<16xi1>, vector<16xf32>
        %broadcast_in_dim3A_470 = arith.constant 51 : i32
        %broadcast_in_dim3A_471 = vector.broadcast %broadcast_in_dim3A_470 : i32 to vector<16xi32>
        %gather3A_472 = tpu.vector_load_idx %arg6[%broadcast_in_dim3A, %shift_right_arithmetic3A_75, %and3A_77, %broadcast_in_dim3A_471] : memref<2x2x128x80xf32, #tpu.memory_space<vmem>>[vector<16xi32>, vector<16xi32>, vector<16xi32>, vector<16xi32>], vector<16xf32>,
        %gt3A_473 = arith.cmpf ogt, %gather3A_472, %select_n3A_445 : vector<16xf32>
        %jit3A_474 = arith.constant 51 : i32
        %broadcast_in_dim3A_475 = vector.broadcast %jit3A_474 : i32 to vector<16xi32>
        %select_n3A_476 = arith.select %gt3A_473, %broadcast_in_dim3A_475, %select_n3A_444 : vector<16xi1>, vector<16xi32>
        %select_n3A_477 = arith.select %gt3A_473, %gather3A_472, %select_n3A_445 : vector<16xi1>, vector<16xf32>
        %broadcast_in_dim3A_478 = arith.constant 52 : i32
        %broadcast_in_dim3A_479 = vector.broadcast %broadcast_in_dim3A_478 : i32 to vector<16xi32>
        %gather3A_480 = tpu.vector_load_idx %arg6[%broadcast_in_dim3A, %shift_right_arithmetic3A_75, %and3A_77, %broadcast_in_dim3A_479] : memref<2x2x128x80xf32, #tpu.memory_space<vmem>>[vector<16xi32>, vector<16xi32>, vector<16xi32>, vector<16xi32>], vector<16xf32>,
        %gt3A_481 = arith.cmpf ogt, %gather3A_480, %select_n3A_453 : vector<16xf32>
        %jit3A_482 = arith.constant 52 : i32
        %broadcast_in_dim3A_483 = vector.broadcast %jit3A_482 : i32 to vector<16xi32>
        %select_n3A_484 = arith.select %gt3A_481, %broadcast_in_dim3A_483, %select_n3A_452 : vector<16xi1>, vector<16xi32>
        %select_n3A_485 = arith.select %gt3A_481, %gather3A_480, %select_n3A_453 : vector<16xi1>, vector<16xf32>
        %broadcast_in_dim3A_486 = arith.constant 53 : i32
        %broadcast_in_dim3A_487 = vector.broadcast %broadcast_in_dim3A_486 : i32 to vector<16xi32>
        %gather3A_488 = tpu.vector_load_idx %arg6[%broadcast_in_dim3A, %shift_right_arithmetic3A_75, %and3A_77, %broadcast_in_dim3A_487] : memref<2x2x128x80xf32, #tpu.memory_space<vmem>>[vector<16xi32>, vector<16xi32>, vector<16xi32>, vector<16xi32>], vector<16xf32>,
        %gt3A_489 = arith.cmpf ogt, %gather3A_488, %select_n3A_461 : vector<16xf32>
        %jit3A_490 = arith.constant 53 : i32
        %broadcast_in_dim3A_491 = vector.broadcast %jit3A_490 : i32 to vector<16xi32>
        %select_n3A_492 = arith.select %gt3A_489, %broadcast_in_dim3A_491, %select_n3A_460 : vector<16xi1>, vector<16xi32>
        %select_n3A_493 = arith.select %gt3A_489, %gather3A_488, %select_n3A_461 : vector<16xi1>, vector<16xf32>
        %broadcast_in_dim3A_494 = arith.constant 54 : i32
        %broadcast_in_dim3A_495 = vector.broadcast %broadcast_in_dim3A_494 : i32 to vector<16xi32>
        %gather3A_496 = tpu.vector_load_idx %arg6[%broadcast_in_dim3A, %shift_right_arithmetic3A_75, %and3A_77, %broadcast_in_dim3A_495] : memref<2x2x128x80xf32, #tpu.memory_space<vmem>>[vector<16xi32>, vector<16xi32>, vector<16xi32>, vector<16xi32>], vector<16xf32>,
        %gt3A_497 = arith.cmpf ogt, %gather3A_496, %select_n3A_469 : vector<16xf32>
        %jit3A_498 = arith.constant 54 : i32
        %broadcast_in_dim3A_499 = vector.broadcast %jit3A_498 : i32 to vector<16xi32>
        %select_n3A_500 = arith.select %gt3A_497, %broadcast_in_dim3A_499, %select_n3A_468 : vector<16xi1>, vector<16xi32>
        %select_n3A_501 = arith.select %gt3A_497, %gather3A_496, %select_n3A_469 : vector<16xi1>, vector<16xf32>
        %broadcast_in_dim3A_502 = arith.constant 55 : i32
        %broadcast_in_dim3A_503 = vector.broadcast %broadcast_in_dim3A_502 : i32 to vector<16xi32>
        %gather3A_504 = tpu.vector_load_idx %arg6[%broadcast_in_dim3A, %shift_right_arithmetic3A_75, %and3A_77, %broadcast_in_dim3A_503] : memref<2x2x128x80xf32, #tpu.memory_space<vmem>>[vector<16xi32>, vector<16xi32>, vector<16xi32>, vector<16xi32>], vector<16xf32>,
        %gt3A_505 = arith.cmpf ogt, %gather3A_504, %select_n3A_477 : vector<16xf32>
        %jit3A_506 = arith.constant 55 : i32
        %broadcast_in_dim3A_507 = vector.broadcast %jit3A_506 : i32 to vector<16xi32>
        %select_n3A_508 = arith.select %gt3A_505, %broadcast_in_dim3A_507, %select_n3A_476 : vector<16xi1>, vector<16xi32>
        %select_n3A_509 = arith.select %gt3A_505, %gather3A_504, %select_n3A_477 : vector<16xi1>, vector<16xf32>
        %broadcast_in_dim3A_510 = arith.constant 56 : i32
        %broadcast_in_dim3A_511 = vector.broadcast %broadcast_in_dim3A_510 : i32 to vector<16xi32>
        %gather3A_512 = tpu.vector_load_idx %arg6[%broadcast_in_dim3A, %shift_right_arithmetic3A_75, %and3A_77, %broadcast_in_dim3A_511] : memref<2x2x128x80xf32, #tpu.memory_space<vmem>>[vector<16xi32>, vector<16xi32>, vector<16xi32>, vector<16xi32>], vector<16xf32>,
        %gt3A_513 = arith.cmpf ogt, %gather3A_512, %select_n3A_485 : vector<16xf32>
        %jit3A_514 = arith.constant 56 : i32
        %broadcast_in_dim3A_515 = vector.broadcast %jit3A_514 : i32 to vector<16xi32>
        %select_n3A_516 = arith.select %gt3A_513, %broadcast_in_dim3A_515, %select_n3A_484 : vector<16xi1>, vector<16xi32>
        %select_n3A_517 = arith.select %gt3A_513, %gather3A_512, %select_n3A_485 : vector<16xi1>, vector<16xf32>
        %broadcast_in_dim3A_518 = arith.constant 57 : i32
        %broadcast_in_dim3A_519 = vector.broadcast %broadcast_in_dim3A_518 : i32 to vector<16xi32>
        %gather3A_520 = tpu.vector_load_idx %arg6[%broadcast_in_dim3A, %shift_right_arithmetic3A_75, %and3A_77, %broadcast_in_dim3A_519] : memref<2x2x128x80xf32, #tpu.memory_space<vmem>>[vector<16xi32>, vector<16xi32>, vector<16xi32>, vector<16xi32>], vector<16xf32>,
        %gt3A_521 = arith.cmpf ogt, %gather3A_520, %select_n3A_493 : vector<16xf32>
        %jit3A_522 = arith.constant 57 : i32
        %broadcast_in_dim3A_523 = vector.broadcast %jit3A_522 : i32 to vector<16xi32>
        %select_n3A_524 = arith.select %gt3A_521, %broadcast_in_dim3A_523, %select_n3A_492 : vector<16xi1>, vector<16xi32>
        %select_n3A_525 = arith.select %gt3A_521, %gather3A_520, %select_n3A_493 : vector<16xi1>, vector<16xf32>
        %broadcast_in_dim3A_526 = arith.constant 58 : i32
        %broadcast_in_dim3A_527 = vector.broadcast %broadcast_in_dim3A_526 : i32 to vector<16xi32>
        %gather3A_528 = tpu.vector_load_idx %arg6[%broadcast_in_dim3A, %shift_right_arithmetic3A_75, %and3A_77, %broadcast_in_dim3A_527] : memref<2x2x128x80xf32, #tpu.memory_space<vmem>>[vector<16xi32>, vector<16xi32>, vector<16xi32>, vector<16xi32>], vector<16xf32>,
        %gt3A_529 = arith.cmpf ogt, %gather3A_528, %select_n3A_501 : vector<16xf32>
        %jit3A_530 = arith.constant 58 : i32
        %broadcast_in_dim3A_531 = vector.broadcast %jit3A_530 : i32 to vector<16xi32>
        %select_n3A_532 = arith.select %gt3A_529, %broadcast_in_dim3A_531, %select_n3A_500 : vector<16xi1>, vector<16xi32>
        %select_n3A_533 = arith.select %gt3A_529, %gather3A_528, %select_n3A_501 : vector<16xi1>, vector<16xf32>
        %broadcast_in_dim3A_534 = arith.constant 59 : i32
        %broadcast_in_dim3A_535 = vector.broadcast %broadcast_in_dim3A_534 : i32 to vector<16xi32>
        %gather3A_536 = tpu.vector_load_idx %arg6[%broadcast_in_dim3A, %shift_right_arithmetic3A_75, %and3A_77, %broadcast_in_dim3A_535] : memref<2x2x128x80xf32, #tpu.memory_space<vmem>>[vector<16xi32>, vector<16xi32>, vector<16xi32>, vector<16xi32>], vector<16xf32>,
        %gt3A_537 = arith.cmpf ogt, %gather3A_536, %select_n3A_509 : vector<16xf32>
        %jit3A_538 = arith.constant 59 : i32
        %broadcast_in_dim3A_539 = vector.broadcast %jit3A_538 : i32 to vector<16xi32>
        %select_n3A_540 = arith.select %gt3A_537, %broadcast_in_dim3A_539, %select_n3A_508 : vector<16xi1>, vector<16xi32>
        %select_n3A_541 = arith.select %gt3A_537, %gather3A_536, %select_n3A_509 : vector<16xi1>, vector<16xf32>
        %broadcast_in_dim3A_542 = arith.constant 60 : i32
        %broadcast_in_dim3A_543 = vector.broadcast %broadcast_in_dim3A_542 : i32 to vector<16xi32>
        %gather3A_544 = tpu.vector_load_idx %arg6[%broadcast_in_dim3A, %shift_right_arithmetic3A_75, %and3A_77, %broadcast_in_dim3A_543] : memref<2x2x128x80xf32, #tpu.memory_space<vmem>>[vector<16xi32>, vector<16xi32>, vector<16xi32>, vector<16xi32>], vector<16xf32>,
        %gt3A_545 = arith.cmpf ogt, %gather3A_544, %select_n3A_517 : vector<16xf32>
        %jit3A_546 = arith.constant 60 : i32
        %broadcast_in_dim3A_547 = vector.broadcast %jit3A_546 : i32 to vector<16xi32>
        %select_n3A_548 = arith.select %gt3A_545, %broadcast_in_dim3A_547, %select_n3A_516 : vector<16xi1>, vector<16xi32>
        %select_n3A_549 = arith.select %gt3A_545, %gather3A_544, %select_n3A_517 : vector<16xi1>, vector<16xf32>
        %broadcast_in_dim3A_550 = arith.constant 61 : i32
        %broadcast_in_dim3A_551 = vector.broadcast %broadcast_in_dim3A_550 : i32 to vector<16xi32>
        %gather3A_552 = tpu.vector_load_idx %arg6[%broadcast_in_dim3A, %shift_right_arithmetic3A_75, %and3A_77, %broadcast_in_dim3A_551] : memref<2x2x128x80xf32, #tpu.memory_space<vmem>>[vector<16xi32>, vector<16xi32>, vector<16xi32>, vector<16xi32>], vector<16xf32>,
        %gt3A_553 = arith.cmpf ogt, %gather3A_552, %select_n3A_525 : vector<16xf32>
        %jit3A_554 = arith.constant 61 : i32
        %broadcast_in_dim3A_555 = vector.broadcast %jit3A_554 : i32 to vector<16xi32>
        %select_n3A_556 = arith.select %gt3A_553, %broadcast_in_dim3A_555, %select_n3A_524 : vector<16xi1>, vector<16xi32>
        %select_n3A_557 = arith.select %gt3A_553, %gather3A_552, %select_n3A_525 : vector<16xi1>, vector<16xf32>
        %broadcast_in_dim3A_558 = arith.constant 62 : i32
        %broadcast_in_dim3A_559 = vector.broadcast %broadcast_in_dim3A_558 : i32 to vector<16xi32>
        %gather3A_560 = tpu.vector_load_idx %arg6[%broadcast_in_dim3A, %shift_right_arithmetic3A_75, %and3A_77, %broadcast_in_dim3A_559] : memref<2x2x128x80xf32, #tpu.memory_space<vmem>>[vector<16xi32>, vector<16xi32>, vector<16xi32>, vector<16xi32>], vector<16xf32>,
        %gt3A_561 = arith.cmpf ogt, %gather3A_560, %select_n3A_533 : vector<16xf32>
        %jit3A_562 = arith.constant 62 : i32
        %broadcast_in_dim3A_563 = vector.broadcast %jit3A_562 : i32 to vector<16xi32>
        %select_n3A_564 = arith.select %gt3A_561, %broadcast_in_dim3A_563, %select_n3A_532 : vector<16xi1>, vector<16xi32>
        %select_n3A_565 = arith.select %gt3A_561, %gather3A_560, %select_n3A_533 : vector<16xi1>, vector<16xf32>
        %broadcast_in_dim3A_566 = arith.constant 63 : i32
        %broadcast_in_dim3A_567 = vector.broadcast %broadcast_in_dim3A_566 : i32 to vector<16xi32>
        %gather3A_568 = tpu.vector_load_idx %arg6[%broadcast_in_dim3A, %shift_right_arithmetic3A_75, %and3A_77, %broadcast_in_dim3A_567] : memref<2x2x128x80xf32, #tpu.memory_space<vmem>>[vector<16xi32>, vector<16xi32>, vector<16xi32>, vector<16xi32>], vector<16xf32>,
        %gt3A_569 = arith.cmpf ogt, %gather3A_568, %select_n3A_541 : vector<16xf32>
        %jit3A_570 = arith.constant 63 : i32
        %broadcast_in_dim3A_571 = vector.broadcast %jit3A_570 : i32 to vector<16xi32>
        %select_n3A_572 = arith.select %gt3A_569, %broadcast_in_dim3A_571, %select_n3A_540 : vector<16xi1>, vector<16xi32>
        %select_n3A_573 = arith.select %gt3A_569, %gather3A_568, %select_n3A_541 : vector<16xi1>, vector<16xf32>
        %broadcast_in_dim3A_574 = arith.constant 64 : i32
        %broadcast_in_dim3A_575 = vector.broadcast %broadcast_in_dim3A_574 : i32 to vector<16xi32>
        %gather3A_576 = tpu.vector_load_idx %arg6[%broadcast_in_dim3A, %shift_right_arithmetic3A_75, %and3A_77, %broadcast_in_dim3A_575] : memref<2x2x128x80xf32, #tpu.memory_space<vmem>>[vector<16xi32>, vector<16xi32>, vector<16xi32>, vector<16xi32>], vector<16xf32>,
        %gt3A_577 = arith.cmpf ogt, %gather3A_576, %select_n3A_549 : vector<16xf32>
        %jit3A_578 = arith.constant 64 : i32
        %broadcast_in_dim3A_579 = vector.broadcast %jit3A_578 : i32 to vector<16xi32>
        %select_n3A_580 = arith.select %gt3A_577, %broadcast_in_dim3A_579, %select_n3A_548 : vector<16xi1>, vector<16xi32>
        %select_n3A_581 = arith.select %gt3A_577, %gather3A_576, %select_n3A_549 : vector<16xi1>, vector<16xf32>
        %broadcast_in_dim3A_582 = arith.constant 65 : i32
        %broadcast_in_dim3A_583 = vector.broadcast %broadcast_in_dim3A_582 : i32 to vector<16xi32>
        %gather3A_584 = tpu.vector_load_idx %arg6[%broadcast_in_dim3A, %shift_right_arithmetic3A_75, %and3A_77, %broadcast_in_dim3A_583] : memref<2x2x128x80xf32, #tpu.memory_space<vmem>>[vector<16xi32>, vector<16xi32>, vector<16xi32>, vector<16xi32>], vector<16xf32>,
        %gt3A_585 = arith.cmpf ogt, %gather3A_584, %select_n3A_557 : vector<16xf32>
        %jit3A_586 = arith.constant 65 : i32
        %broadcast_in_dim3A_587 = vector.broadcast %jit3A_586 : i32 to vector<16xi32>
        %select_n3A_588 = arith.select %gt3A_585, %broadcast_in_dim3A_587, %select_n3A_556 : vector<16xi1>, vector<16xi32>
        %select_n3A_589 = arith.select %gt3A_585, %gather3A_584, %select_n3A_557 : vector<16xi1>, vector<16xf32>
        %broadcast_in_dim3A_590 = arith.constant 66 : i32
        %broadcast_in_dim3A_591 = vector.broadcast %broadcast_in_dim3A_590 : i32 to vector<16xi32>
        %gather3A_592 = tpu.vector_load_idx %arg6[%broadcast_in_dim3A, %shift_right_arithmetic3A_75, %and3A_77, %broadcast_in_dim3A_591] : memref<2x2x128x80xf32, #tpu.memory_space<vmem>>[vector<16xi32>, vector<16xi32>, vector<16xi32>, vector<16xi32>], vector<16xf32>,
        %gt3A_593 = arith.cmpf ogt, %gather3A_592, %select_n3A_565 : vector<16xf32>
        %jit3A_594 = arith.constant 66 : i32
        %broadcast_in_dim3A_595 = vector.broadcast %jit3A_594 : i32 to vector<16xi32>
        %select_n3A_596 = arith.select %gt3A_593, %broadcast_in_dim3A_595, %select_n3A_564 : vector<16xi1>, vector<16xi32>
        %select_n3A_597 = arith.select %gt3A_593, %gather3A_592, %select_n3A_565 : vector<16xi1>, vector<16xf32>
        %broadcast_in_dim3A_598 = arith.constant 67 : i32
        %broadcast_in_dim3A_599 = vector.broadcast %broadcast_in_dim3A_598 : i32 to vector<16xi32>
        %gather3A_600 = tpu.vector_load_idx %arg6[%broadcast_in_dim3A, %shift_right_arithmetic3A_75, %and3A_77, %broadcast_in_dim3A_599] : memref<2x2x128x80xf32, #tpu.memory_space<vmem>>[vector<16xi32>, vector<16xi32>, vector<16xi32>, vector<16xi32>], vector<16xf32>,
        %gt3A_601 = arith.cmpf ogt, %gather3A_600, %select_n3A_573 : vector<16xf32>
        %jit3A_602 = arith.constant 67 : i32
        %broadcast_in_dim3A_603 = vector.broadcast %jit3A_602 : i32 to vector<16xi32>
        %select_n3A_604 = arith.select %gt3A_601, %broadcast_in_dim3A_603, %select_n3A_572 : vector<16xi1>, vector<16xi32>
        %select_n3A_605 = arith.select %gt3A_601, %gather3A_600, %select_n3A_573 : vector<16xi1>, vector<16xf32>
        %broadcast_in_dim3A_606 = arith.constant 68 : i32
        %broadcast_in_dim3A_607 = vector.broadcast %broadcast_in_dim3A_606 : i32 to vector<16xi32>
        %gather3A_608 = tpu.vector_load_idx %arg6[%broadcast_in_dim3A, %shift_right_arithmetic3A_75, %and3A_77, %broadcast_in_dim3A_607] : memref<2x2x128x80xf32, #tpu.memory_space<vmem>>[vector<16xi32>, vector<16xi32>, vector<16xi32>, vector<16xi32>], vector<16xf32>,
        %gt3A_609 = arith.cmpf ogt, %gather3A_608, %select_n3A_581 : vector<16xf32>
        %jit3A_610 = arith.constant 68 : i32
        %broadcast_in_dim3A_611 = vector.broadcast %jit3A_610 : i32 to vector<16xi32>
        %select_n3A_612 = arith.select %gt3A_609, %broadcast_in_dim3A_611, %select_n3A_580 : vector<16xi1>, vector<16xi32>
        %select_n3A_613 = arith.select %gt3A_609, %gather3A_608, %select_n3A_581 : vector<16xi1>, vector<16xf32>
        %broadcast_in_dim3A_614 = arith.constant 69 : i32
        %broadcast_in_dim3A_615 = vector.broadcast %broadcast_in_dim3A_614 : i32 to vector<16xi32>
        %gather3A_616 = tpu.vector_load_idx %arg6[%broadcast_in_dim3A, %shift_right_arithmetic3A_75, %and3A_77, %broadcast_in_dim3A_615] : memref<2x2x128x80xf32, #tpu.memory_space<vmem>>[vector<16xi32>, vector<16xi32>, vector<16xi32>, vector<16xi32>], vector<16xf32>,
        %gt3A_617 = arith.cmpf ogt, %gather3A_616, %select_n3A_589 : vector<16xf32>
        %jit3A_618 = arith.constant 69 : i32
        %broadcast_in_dim3A_619 = vector.broadcast %jit3A_618 : i32 to vector<16xi32>
        %select_n3A_620 = arith.select %gt3A_617, %broadcast_in_dim3A_619, %select_n3A_588 : vector<16xi1>, vector<16xi32>
        %select_n3A_621 = arith.select %gt3A_617, %gather3A_616, %select_n3A_589 : vector<16xi1>, vector<16xf32>
        %broadcast_in_dim3A_622 = arith.constant 70 : i32
        %broadcast_in_dim3A_623 = vector.broadcast %broadcast_in_dim3A_622 : i32 to vector<16xi32>
        %gather3A_624 = tpu.vector_load_idx %arg6[%broadcast_in_dim3A, %shift_right_arithmetic3A_75, %and3A_77, %broadcast_in_dim3A_623] : memref<2x2x128x80xf32, #tpu.memory_space<vmem>>[vector<16xi32>, vector<16xi32>, vector<16xi32>, vector<16xi32>], vector<16xf32>,
        %gt3A_625 = arith.cmpf ogt, %gather3A_624, %select_n3A_597 : vector<16xf32>
        %jit3A_626 = arith.constant 70 : i32
        %broadcast_in_dim3A_627 = vector.broadcast %jit3A_626 : i32 to vector<16xi32>
        %select_n3A_628 = arith.select %gt3A_625, %broadcast_in_dim3A_627, %select_n3A_596 : vector<16xi1>, vector<16xi32>
        %select_n3A_629 = arith.select %gt3A_625, %gather3A_624, %select_n3A_597 : vector<16xi1>, vector<16xf32>
        %broadcast_in_dim3A_630 = arith.constant 71 : i32
        %broadcast_in_dim3A_631 = vector.broadcast %broadcast_in_dim3A_630 : i32 to vector<16xi32>
        %gather3A_632 = tpu.vector_load_idx %arg6[%broadcast_in_dim3A, %shift_right_arithmetic3A_75, %and3A_77, %broadcast_in_dim3A_631] : memref<2x2x128x80xf32, #tpu.memory_space<vmem>>[vector<16xi32>, vector<16xi32>, vector<16xi32>, vector<16xi32>], vector<16xf32>,
        %gt3A_633 = arith.cmpf ogt, %gather3A_632, %select_n3A_605 : vector<16xf32>
        %jit3A_634 = arith.constant 71 : i32
        %broadcast_in_dim3A_635 = vector.broadcast %jit3A_634 : i32 to vector<16xi32>
        %select_n3A_636 = arith.select %gt3A_633, %broadcast_in_dim3A_635, %select_n3A_604 : vector<16xi1>, vector<16xi32>
        %select_n3A_637 = arith.select %gt3A_633, %gather3A_632, %select_n3A_605 : vector<16xi1>, vector<16xf32>
        %broadcast_in_dim3A_638 = arith.constant 72 : i32
        %broadcast_in_dim3A_639 = vector.broadcast %broadcast_in_dim3A_638 : i32 to vector<16xi32>
        %gather3A_640 = tpu.vector_load_idx %arg6[%broadcast_in_dim3A, %shift_right_arithmetic3A_75, %and3A_77, %broadcast_in_dim3A_639] : memref<2x2x128x80xf32, #tpu.memory_space<vmem>>[vector<16xi32>, vector<16xi32>, vector<16xi32>, vector<16xi32>], vector<16xf32>,
        %gt3A_641 = arith.cmpf ogt, %gather3A_640, %select_n3A_613 : vector<16xf32>
        %jit3A_642 = arith.constant 72 : i32
        %broadcast_in_dim3A_643 = vector.broadcast %jit3A_642 : i32 to vector<16xi32>
        %select_n3A_644 = arith.select %gt3A_641, %broadcast_in_dim3A_643, %select_n3A_612 : vector<16xi1>, vector<16xi32>
        %select_n3A_645 = arith.select %gt3A_641, %gather3A_640, %select_n3A_613 : vector<16xi1>, vector<16xf32>
        %broadcast_in_dim3A_646 = arith.constant 73 : i32
        %broadcast_in_dim3A_647 = vector.broadcast %broadcast_in_dim3A_646 : i32 to vector<16xi32>
        %gather3A_648 = tpu.vector_load_idx %arg6[%broadcast_in_dim3A, %shift_right_arithmetic3A_75, %and3A_77, %broadcast_in_dim3A_647] : memref<2x2x128x80xf32, #tpu.memory_space<vmem>>[vector<16xi32>, vector<16xi32>, vector<16xi32>, vector<16xi32>], vector<16xf32>,
        %gt3A_649 = arith.cmpf ogt, %gather3A_648, %select_n3A_621 : vector<16xf32>
        %jit3A_650 = arith.constant 73 : i32
        %broadcast_in_dim3A_651 = vector.broadcast %jit3A_650 : i32 to vector<16xi32>
        %select_n3A_652 = arith.select %gt3A_649, %broadcast_in_dim3A_651, %select_n3A_620 : vector<16xi1>, vector<16xi32>
        %select_n3A_653 = arith.select %gt3A_649, %gather3A_648, %select_n3A_621 : vector<16xi1>, vector<16xf32>
        %broadcast_in_dim3A_654 = arith.constant 74 : i32
        %broadcast_in_dim3A_655 = vector.broadcast %broadcast_in_dim3A_654 : i32 to vector<16xi32>
        %gather3A_656 = tpu.vector_load_idx %arg6[%broadcast_in_dim3A, %shift_right_arithmetic3A_75, %and3A_77, %broadcast_in_dim3A_655] : memref<2x2x128x80xf32, #tpu.memory_space<vmem>>[vector<16xi32>, vector<16xi32>, vector<16xi32>, vector<16xi32>], vector<16xf32>,
        %gt3A_657 = arith.cmpf ogt, %gather3A_656, %select_n3A_629 : vector<16xf32>
        %jit3A_658 = arith.constant 74 : i32
        %broadcast_in_dim3A_659 = vector.broadcast %jit3A_658 : i32 to vector<16xi32>
        %select_n3A_660 = arith.select %gt3A_657, %broadcast_in_dim3A_659, %select_n3A_628 : vector<16xi1>, vector<16xi32>
        %select_n3A_661 = arith.select %gt3A_657, %gather3A_656, %select_n3A_629 : vector<16xi1>, vector<16xf32>
        %broadcast_in_dim3A_662 = arith.constant 75 : i32
        %broadcast_in_dim3A_663 = vector.broadcast %broadcast_in_dim3A_662 : i32 to vector<16xi32>
        %gather3A_664 = tpu.vector_load_idx %arg6[%broadcast_in_dim3A, %shift_right_arithmetic3A_75, %and3A_77, %broadcast_in_dim3A_663] : memref<2x2x128x80xf32, #tpu.memory_space<vmem>>[vector<16xi32>, vector<16xi32>, vector<16xi32>, vector<16xi32>], vector<16xf32>,
        %gt3A_665 = arith.cmpf ogt, %gather3A_664, %select_n3A_637 : vector<16xf32>
        %jit3A_666 = arith.constant 75 : i32
        %broadcast_in_dim3A_667 = vector.broadcast %jit3A_666 : i32 to vector<16xi32>
        %select_n3A_668 = arith.select %gt3A_665, %broadcast_in_dim3A_667, %select_n3A_636 : vector<16xi1>, vector<16xi32>
        %select_n3A_669 = arith.select %gt3A_665, %gather3A_664, %select_n3A_637 : vector<16xi1>, vector<16xf32>
        %broadcast_in_dim3A_670 = arith.constant 76 : i32
        %broadcast_in_dim3A_671 = vector.broadcast %broadcast_in_dim3A_670 : i32 to vector<16xi32>
        %gather3A_672 = tpu.vector_load_idx %arg6[%broadcast_in_dim3A, %shift_right_arithmetic3A_75, %and3A_77, %broadcast_in_dim3A_671] : memref<2x2x128x80xf32, #tpu.memory_space<vmem>>[vector<16xi32>, vector<16xi32>, vector<16xi32>, vector<16xi32>], vector<16xf32>,
        %gt3A_673 = arith.cmpf ogt, %gather3A_672, %select_n3A_645 : vector<16xf32>
        %jit3A_674 = arith.constant 76 : i32
        %broadcast_in_dim3A_675 = vector.broadcast %jit3A_674 : i32 to vector<16xi32>
        %select_n3A_676 = arith.select %gt3A_673, %broadcast_in_dim3A_675, %select_n3A_644 : vector<16xi1>, vector<16xi32>
        %select_n3A_677 = arith.select %gt3A_673, %gather3A_672, %select_n3A_645 : vector<16xi1>, vector<16xf32>
        %broadcast_in_dim3A_678 = arith.constant 77 : i32
        %broadcast_in_dim3A_679 = vector.broadcast %broadcast_in_dim3A_678 : i32 to vector<16xi32>
        %gather3A_680 = tpu.vector_load_idx %arg6[%broadcast_in_dim3A, %shift_right_arithmetic3A_75, %and3A_77, %broadcast_in_dim3A_679] : memref<2x2x128x80xf32, #tpu.memory_space<vmem>>[vector<16xi32>, vector<16xi32>, vector<16xi32>, vector<16xi32>], vector<16xf32>,
        %gt3A_681 = arith.cmpf ogt, %gather3A_680, %select_n3A_653 : vector<16xf32>
        %jit3A_682 = arith.constant 77 : i32
        %broadcast_in_dim3A_683 = vector.broadcast %jit3A_682 : i32 to vector<16xi32>
        %select_n3A_684 = arith.select %gt3A_681, %broadcast_in_dim3A_683, %select_n3A_652 : vector<16xi1>, vector<16xi32>
        %select_n3A_685 = arith.select %gt3A_681, %gather3A_680, %select_n3A_653 : vector<16xi1>, vector<16xf32>
        %broadcast_in_dim3A_686 = arith.constant 78 : i32
        %broadcast_in_dim3A_687 = vector.broadcast %broadcast_in_dim3A_686 : i32 to vector<16xi32>
        %gather3A_688 = tpu.vector_load_idx %arg6[%broadcast_in_dim3A, %shift_right_arithmetic3A_75, %and3A_77, %broadcast_in_dim3A_687] : memref<2x2x128x80xf32, #tpu.memory_space<vmem>>[vector<16xi32>, vector<16xi32>, vector<16xi32>, vector<16xi32>], vector<16xf32>,
        %gt3A_689 = arith.cmpf ogt, %gather3A_688, %select_n3A_661 : vector<16xf32>
        %jit3A_690 = arith.constant 78 : i32
        %broadcast_in_dim3A_691 = vector.broadcast %jit3A_690 : i32 to vector<16xi32>
        %select_n3A_692 = arith.select %gt3A_689, %broadcast_in_dim3A_691, %select_n3A_660 : vector<16xi1>, vector<16xi32>
        %select_n3A_693 = arith.select %gt3A_689, %gather3A_688, %select_n3A_661 : vector<16xi1>, vector<16xf32>
        %broadcast_in_dim3A_694 = arith.constant 79 : i32
        %broadcast_in_dim3A_695 = vector.broadcast %broadcast_in_dim3A_694 : i32 to vector<16xi32>
        %gather3A_696 = tpu.vector_load_idx %arg6[%broadcast_in_dim3A, %shift_right_arithmetic3A_75, %and3A_77, %broadcast_in_dim3A_695] : memref<2x2x128x80xf32, #tpu.memory_space<vmem>>[vector<16xi32>, vector<16xi32>, vector<16xi32>, vector<16xi32>], vector<16xf32>,
        %gt3A_697 = arith.cmpf ogt, %gather3A_696, %select_n3A_669 : vector<16xf32>
        %jit3A_698 = arith.constant 79 : i32
        %broadcast_in_dim3A_699 = vector.broadcast %jit3A_698 : i32 to vector<16xi32>
        %select_n3A_700 = arith.select %gt3A_697, %broadcast_in_dim3A_699, %select_n3A_668 : vector<16xi1>, vector<16xi32>
        %select_n3A_701 = arith.select %gt3A_697, %gather3A_696, %select_n3A_669 : vector<16xi1>, vector<16xf32>
        %gt3A_702 = arith.cmpf ogt, %select_n3A_685, %select_n3A_677 : vector<16xf32>
        %select_n3A_703 = arith.select %gt3A_702, %select_n3A_684, %select_n3A_676 : vector<16xi1>, vector<16xi32>
        %select_n3A_704 = arith.select %gt3A_702, %select_n3A_685, %select_n3A_677 : vector<16xi1>, vector<16xf32>
        %gt3A_705 = arith.cmpf ogt, %select_n3A_693, %select_n3A_704 : vector<16xf32>
        %select_n3A_706 = arith.select %gt3A_705, %select_n3A_692, %select_n3A_703 : vector<16xi1>, vector<16xi32>
        %select_n3A_707 = arith.select %gt3A_705, %select_n3A_693, %select_n3A_704 : vector<16xi1>, vector<16xf32>
        %gt3A_708 = arith.cmpf ogt, %select_n3A_701, %select_n3A_707 : vector<16xf32>
        %select_n3A_709 = arith.select %gt3A_708, %select_n3A_700, %select_n3A_706 : vector<16xi1>, vector<16xi32>
        %select_n3A_710 = arith.select %gt3A_708, %select_n3A_701, %select_n3A_707 : vector<16xi1>, vector<16xf32>
        %mul3A_711 = arith.constant 256 : i32
        %mul3A_712 = arith.muli %add3A_34, %mul3A_711 : i32
        %add3A_713 = arith.addi %mul3A_712, %mul3A_71 : i32
        %swap3A = arith.index_cast %add3A_713 : i32 to index
        %swap3A_714 = tpu.vector_load %arg8[%swap3A] {strides = array<i32>} : memref<8192xi32, #tpu.memory_space<vmem>>, vector<16xi32>,
        tpu.vector_store %arg8[%swap3A], %select_n3A_709 {strides = array<i32>} : memref<8192xi32, #tpu.memory_space<vmem>>, vector<16xi32>,
        %get3A = arith.index_cast %add3A_713 : i32 to index
        %get3A_715 = tpu.vector_load %arg7[%get3A] {strides = array<i32>} : memref<8192xf32, #tpu.memory_space<vmem>>, vector<16xf32>,
        %neg3A = arith.constant 0.000000e+00 : f32
        %neg3A_716 = vector.broadcast %neg3A : f32 to vector<16xf32>
        %neg3A_717 = arith.subf %neg3A_716, %get3A_715 : vector<16xf32>
        %exp3A = math.exp %neg3A_717 : vector<16xf32>
        %add3A_718 = arith.constant 1.000000e+00 : f32
        %add3A_719 = vector.broadcast %add3A_718 : f32 to vector<16xf32>
        %add3A_720 = arith.addf %add3A_719, %exp3A : vector<16xf32>
        %div3A = arith.constant 1.000000e+00 : f32
        %div3A_721 = vector.broadcast %div3A : f32 to vector<16xf32>
        %div3A_722 = arith.divf %div3A_721, %add3A_720 : vector<16xf32>
        %neg3A_723 = arith.constant 0.000000e+00 : f32
        %neg3A_724 = vector.broadcast %neg3A_723 : f32 to vector<16xf32>
        %neg3A_725 = arith.subf %neg3A_724, %select_n3A_710 : vector<16xf32>
        %exp3A_726 = math.exp %neg3A_725 : vector<16xf32>
        %add3A_727 = arith.constant 1.000000e+00 : f32
        %add3A_728 = vector.broadcast %add3A_727 : f32 to vector<16xf32>
        %add3A_729 = arith.addf %add3A_728, %exp3A_726 : vector<16xf32>
        %div3A_730 = arith.constant 1.000000e+00 : f32
        %div3A_731 = vector.broadcast %div3A_730 : f32 to vector<16xf32>
        %div3A_732 = arith.divf %div3A_731, %add3A_729 : vector<16xf32>
        %mul3A_733 = arith.mulf %div3A_722, %div3A_732 : vector<16xf32>
        %bitcast_convert_type3A = tpu.bitcast %mul3A_733 : vector<16xf32> -> vector<16xi32>
        %shift_right_arithmetic3A_734 = arith.constant 1 : i32
        %shift_right_arithmetic3A_735 = vector.broadcast %shift_right_arithmetic3A_734 : i32 to vector<16xi32>
        %shift_right_arithmetic3A_736 = arith.shrsi %bitcast_convert_type3A, %shift_right_arithmetic3A_735 : vector<16xi32>
        %add3A_737 = arith.constant 532487669 : i32
        %add3A_738 = vector.broadcast %add3A_737 : i32 to vector<16xi32>
        %add3A_739 = arith.addi %shift_right_arithmetic3A_736, %add3A_738 : vector<16xi32>
        %bitcast_convert_type3A_740 = tpu.bitcast %add3A_739 : vector<16xi32> -> vector<16xf32>
        %div3A_741 = arith.divf %mul3A_733, %bitcast_convert_type3A_740 : vector<16xf32>
        %add3A_742 = arith.addf %bitcast_convert_type3A_740, %div3A_741 : vector<16xf32>
        %mul3A_743 = arith.constant 5.000000e-01 : f32
        %mul3A_744 = vector.broadcast %mul3A_743 : f32 to vector<16xf32>
        %mul3A_745 = arith.mulf %mul3A_744, %add3A_742 : vector<16xf32>
        %div3A_746 = arith.divf %mul3A_733, %mul3A_745 : vector<16xf32>
        %add3A_747 = arith.addf %mul3A_745, %div3A_746 : vector<16xf32>
        %mul3A_748 = arith.constant 5.000000e-01 : f32
        %mul3A_749 = vector.broadcast %mul3A_748 : f32 to vector<16xf32>
        %mul3A_750 = arith.mulf %mul3A_749, %add3A_747 : vector<16xf32>
        %swap3A_751 = arith.index_cast %add3A_713 : i32 to index
        %swap3A_752 = tpu.vector_load %arg9[%swap3A_751] {strides = array<i32>} : memref<8192xf32, #tpu.memory_space<vmem>>, vector<16xf32>,
        tpu.vector_store %arg9[%swap3A_751], %mul3A_750 {strides = array<i32>} : memref<8192xf32, #tpu.memory_space<vmem>>, vector<16xf32>,
      }
      %scan3A_64 = arith.constant 16 : i32
    }
    %scan3A_29 = arith.constant 32 : i32
    "tpu.region"() ({
      %run_scoped3A = tpu.sem_alloc : memref<!tpu.dma_semaphore, #tpu.memory_space<semaphore_mem>>
      %dma_start3A_30 = tpu.memref_slice %arg4[%mul3A_2] : memref<262144xi32, #tpu.memory_space<hbm>> -> memref<8192xi32, #tpu.memory_space<hbm>>
      %dma_start3A_31 = tpu.memref_slice %arg4[%mul3A_2] : memref<262144xi32, #tpu.memory_space<hbm>> -> memref<8192xi32, #tpu.memory_space<hbm>>
      tpu.enqueue_dma source(%arg8 : memref<8192xi32, #tpu.memory_space<vmem>>) target(%dma_start3A_31 : memref<8192xi32, #tpu.memory_space<hbm>>) target_semaphore(%run_scoped3A : memref<!tpu.dma_semaphore, #tpu.memory_space<semaphore_mem>>)
      %dma_wait3A = tpu.memref_slice %arg4[%mul3A_2] : memref<262144xi32, #tpu.memory_space<hbm>> -> memref<8192xi32, #tpu.memory_space<hbm>>
      %dma_wait3A_32 = tpu.memref_slice %arg4[%mul3A_2] : memref<262144xi32, #tpu.memory_space<hbm>> -> memref<8192xi32, #tpu.memory_space<hbm>>
      tpu.wait_dma2 semaphore(%run_scoped3A : memref<!tpu.dma_semaphore, #tpu.memory_space<semaphore_mem>>) src(%arg8 : memref<8192xi32, #tpu.memory_space<vmem>>) dst(%dma_wait3A_32 : memref<8192xi32, #tpu.memory_space<hbm>>)
      tpu.yield
    }) : () -> ()
    "tpu.region"() ({
      %run_scoped3A = tpu.sem_alloc : memref<!tpu.dma_semaphore, #tpu.memory_space<semaphore_mem>>
      %dma_start3A_30 = tpu.memref_slice %arg5[%mul3A_2] : memref<262144xf32, #tpu.memory_space<hbm>> -> memref<8192xf32, #tpu.memory_space<hbm>>
      %dma_start3A_31 = tpu.memref_slice %arg5[%mul3A_2] : memref<262144xf32, #tpu.memory_space<hbm>> -> memref<8192xf32, #tpu.memory_space<hbm>>
      tpu.enqueue_dma source(%arg9 : memref<8192xf32, #tpu.memory_space<vmem>>) target(%dma_start3A_31 : memref<8192xf32, #tpu.memory_space<hbm>>) target_semaphore(%run_scoped3A : memref<!tpu.dma_semaphore, #tpu.memory_space<semaphore_mem>>)
      %dma_wait3A = tpu.memref_slice %arg5[%mul3A_2] : memref<262144xf32, #tpu.memory_space<hbm>> -> memref<8192xf32, #tpu.memory_space<hbm>>
      %dma_wait3A_32 = tpu.memref_slice %arg5[%mul3A_2] : memref<262144xf32, #tpu.memory_space<hbm>> -> memref<8192xf32, #tpu.memory_space<hbm>>
      tpu.wait_dma2 semaphore(%run_scoped3A : memref<!tpu.dma_semaphore, #tpu.memory_space<semaphore_mem>>) src(%arg9 : memref<8192xf32, #tpu.memory_space<vmem>>) dst(%dma_wait3A_32 : memref<8192xf32, #tpu.memory_space<hbm>>)
      tpu.yield
    }) : () -> ()
    return
  }
}

module attributes {stable_mosaic.version = 14 : i64} {
  func.func @_tc_bbox_body(%arg0: i32, %arg1: memref<512x128xf32, #tpu.memory_space<vmem>>, %arg2: memref<512x128xf32, #tpu.memory_space<vmem>>) attributes {dimension_semantics = [#tpu.dimension_semantics<arbitrary>], iteration_bounds = array<i64: 16>, scalar_prefetch = 0 : i64, scratch_operands = 0 : i64, tpu.core_type = #tpu.core_type<tc>, window_params = [{transform_indices = @transform_0, window_bounds = array<i64: 512, 128>}, {transform_indices = @transform_1, window_bounds = array<i64: 512, 128>}]} {
    %get3A = arith.constant 0 : index
    %get3A_0 = arith.constant 0 : index
    %get3A_1 = vector.load %arg1[%get3A, %get3A_0] : memref<512x128xf32, #tpu.memory_space<vmem>>, vector<512x128xf32>
    %exp3A = math.exp %get3A_1 : vector<512x128xf32>
    %mul3A = arith.constant 8.000000e+00 : f32
    %mul3A_2 = vector.broadcast %mul3A : f32 to vector<512x128xf32>
    %mul3A_3 = arith.mulf %exp3A, %mul3A_2 : vector<512x128xf32>
    %iota3A = tpu.iota {dimensions = array<i32: 1>} : vector<512x128xi32>
    %and3A = arith.constant 2 : i32
    %and3A_4 = vector.broadcast %and3A : i32 to vector<512x128xi32>
    %and3A_5 = arith.andi %iota3A, %and3A_4 : vector<512x128xi32>
    %eq3A = arith.constant 0 : i32
    %eq3A_6 = vector.broadcast %eq3A : i32 to vector<512x128xi32>
    %eq3A_7 = arith.cmpi eq, %and3A_5, %eq3A_6 : vector<512x128xi32>
    %slice3A = vector.extract_strided_slice %mul3A_3 {offsets = [0, 2], sizes = [512, 126], strides = [1, 1]} : vector<512x128xf32> to vector<512x126xf32>
    %slice3A_8 = vector.extract_strided_slice %mul3A_3 {offsets = [0, 0], sizes = [512, 2], strides = [1, 1]} : vector<512x128xf32> to vector<512x2xf32>
    %concatenate3A = tpu.concatenate %slice3A, %slice3A_8 in 1 : vector<512x126xf32>, vector<512x2xf32> -> vector<512x128xf32>
    %slice3A_9 = vector.extract_strided_slice %mul3A_3 {offsets = [0, 126], sizes = [512, 2], strides = [1, 1]} : vector<512x128xf32> to vector<512x2xf32>
    %slice3A_10 = vector.extract_strided_slice %mul3A_3 {offsets = [0, 0], sizes = [512, 126], strides = [1, 1]} : vector<512x128xf32> to vector<512x126xf32>
    %concatenate3A_11 = tpu.concatenate %slice3A_9, %slice3A_10 in 1 : vector<512x2xf32>, vector<512x126xf32> -> vector<512x128xf32>
    %select_n3A = arith.select %eq3A_7, %concatenate3A, %concatenate3A_11 : vector<512x128xi1>, vector<512x128xf32>
    %mul3A_12 = arith.constant 512 : i32
    %mul3A_13 = arith.muli %arg0, %mul3A_12 : i32
    %iota3A_14 = tpu.iota {dimensions = array<i32: 0>} : vector<512x128xi32>
    %add3A = vector.broadcast %mul3A_13 : i32 to vector<512x128xi32>
    %add3A_15 = arith.addi %add3A, %iota3A_14 : vector<512x128xi32>
    %rem3A = arith.constant 4 : i32
    %rem3A_16 = vector.broadcast %rem3A : i32 to vector<512x128xi32>
    %rem3A_17 = arith.remsi %add3A_15, %rem3A_16 : vector<512x128xi32>
    %mul3A_18 = arith.constant 32 : i32
    %mul3A_19 = vector.broadcast %mul3A_18 : i32 to vector<512x128xi32>
    %mul3A_20 = arith.muli %rem3A_17, %mul3A_19 : vector<512x128xi32>
    %shift_right_arithmetic3A = arith.constant 2 : i32
    %shift_right_arithmetic3A_21 = vector.broadcast %shift_right_arithmetic3A : i32 to vector<512x128xi32>
    %shift_right_arithmetic3A_22 = arith.shrsi %iota3A, %shift_right_arithmetic3A_21 : vector<512x128xi32>
    %add3A_23 = arith.addi %mul3A_20, %shift_right_arithmetic3A_22 : vector<512x128xi32>
    %convert_element_type3A = arith.sitofp %add3A_23 : vector<512x128xi32> to vector<512x128xf32>
    %mul3A_24 = arith.constant 8.000000e+00 : f32
    %mul3A_25 = vector.broadcast %mul3A_24 : f32 to vector<512x128xf32>
    %mul3A_26 = arith.mulf %convert_element_type3A, %mul3A_25 : vector<512x128xf32>
    %add3A_27 = arith.constant 4.000000e+00 : f32
    %add3A_28 = vector.broadcast %add3A_27 : f32 to vector<512x128xf32>
    %add3A_29 = arith.addf %mul3A_26, %add3A_28 : vector<512x128xf32>
    %shift_right_arithmetic3A_30 = arith.constant 2 : i32
    %shift_right_arithmetic3A_31 = vector.broadcast %shift_right_arithmetic3A_30 : i32 to vector<512x128xi32>
    %shift_right_arithmetic3A_32 = arith.shrsi %add3A_15, %shift_right_arithmetic3A_31 : vector<512x128xi32>
    %rem3A_33 = arith.constant 128 : i32
    %rem3A_34 = vector.broadcast %rem3A_33 : i32 to vector<512x128xi32>
    %rem3A_35 = arith.remsi %shift_right_arithmetic3A_32, %rem3A_34 : vector<512x128xi32>
    %convert_element_type3A_36 = arith.sitofp %rem3A_35 : vector<512x128xi32> to vector<512x128xf32>
    %mul3A_37 = arith.constant 8.000000e+00 : f32
    %mul3A_38 = vector.broadcast %mul3A_37 : f32 to vector<512x128xf32>
    %mul3A_39 = arith.mulf %convert_element_type3A_36, %mul3A_38 : vector<512x128xf32>
    %add3A_40 = arith.constant 4.000000e+00 : f32
    %add3A_41 = vector.broadcast %add3A_40 : f32 to vector<512x128xf32>
    %add3A_42 = arith.addf %mul3A_39, %add3A_41 : vector<512x128xf32>
    %and3A_43 = arith.constant 3 : i32
    %and3A_44 = vector.broadcast %and3A_43 : i32 to vector<512x128xi32>
    %and3A_45 = arith.andi %iota3A, %and3A_44 : vector<512x128xi32>
    %eq3A_46 = arith.constant 0 : i32
    %eq3A_47 = vector.broadcast %eq3A_46 : i32 to vector<512x128xi32>
    %eq3A_48 = arith.cmpi eq, %and3A_45, %eq3A_47 : vector<512x128xi32>
    %select_n3A_49 = arith.select %eq3A_48, %add3A_29, %add3A_42 : vector<512x128xi1>, vector<512x128xf32>
    %sub3A = arith.subf %select_n3A, %mul3A_3 : vector<512x128xf32>
    %mul3A_50 = arith.constant 5.000000e-01 : f32
    %mul3A_51 = vector.broadcast %mul3A_50 : f32 to vector<512x128xf32>
    %mul3A_52 = arith.mulf %sub3A, %mul3A_51 : vector<512x128xf32>
    %add3A_53 = arith.addf %select_n3A_49, %mul3A_52 : vector<512x128xf32>
    %add3A_54 = arith.addf %select_n3A, %mul3A_3 : vector<512x128xf32>
    %select_n3A_55 = arith.select %eq3A_7, %add3A_53, %add3A_54 : vector<512x128xi1>, vector<512x128xf32>
    %swap3A = arith.constant 0 : index
    %swap3A_56 = arith.constant 0 : index
    %swap3A_57 = vector.load %arg2[%swap3A, %swap3A_56] : memref<512x128xf32, #tpu.memory_space<vmem>>, vector<512x128xf32>
    tpu.vector_store %arg2[%swap3A, %swap3A_56], %select_n3A_55 {strides = array<i32>} : memref<512x128xf32, #tpu.memory_space<vmem>>, vector<512x128xf32>,
    return
  }
  func.func @transform_0(%arg0: i32) -> (i32, i32) {
    %c0_i32 = arith.constant 0 : i32
    %c0_i32_0 = arith.constant 0 : i32
    return %arg0, %c0_i32 : i32, i32
  }
  func.func @transform_1(%arg0: i32) -> (i32, i32) {
    %c0_i32 = arith.constant 0 : i32
    %c0_i32_0 = arith.constant 0 : i32
    return %arg0, %c0_i32 : i32, i32
  }
}

</mosaic_0001>

<sc_bundles>
// kernel: kernel.4.cloned.1.call-start
scs
__scs_entry_jumppad:
0x0: {  	(pc) =	sbr.rel $0x88, $3  }
0x1: {  	(tag) =	ssettag $0x0;
	lr =	simm.s32 $0x1  }
0x2: {  	[smem:$0x3F9E] =	sst lr;
	_ =	strace $0xD0000000  }
0x3: {  	_ = 	snop  }
0x4: {  	_ = 	snop  }
0x5: {  	_ = 	snop  }
0x6: {  	_ = 	snop  }
0x7: {  	_ = 	snop  }
__scs_overlays_trampoline_lowered:
0x8: {  	[smem:$0x3FAD] =	sst s0  }
0x9: {  	[smem:$0x3FAE] =	sst s1  }
0xa: {  	[smem:$0x3FAF] =	sst s2  }
0xb: {  	[smem:$0x3FB0] =	sst s3  }
0xc: {  	[smem:$0x3FB1] =	sst s4  }
0xd: {  	[smem:$0x3FB2] =	sst s5  }
0xe: {  	[smem:$0x3FB3] =	sst s6  }
0xf: {  	[smem:$0x3FB4] =	sst s7  }
0x10: {  	[smem:$0x3FB5] =	sst s8  }
0x11: {  	[smem:$0x3FB6] =	sst s9;
	s0 =	simm.s32 @!p0 $0x0  }
0x12: {  	s1 =	sld [smem:$0x3F9C];
	s0 =	simm.s32 @p0 $0x1  }
0x13: {  	[smem:$0x3FB7] =	sst s0;
	s0 =	simm.s32 @!p1 $0x0  }
0x14: {  	s2 =	sld [smem:$0x3F9B];
	s0 =	simm.s32 @p1 $0x1  }
0x15: {  	[smem:$0x3FB8] =	sst s0;
	s0 =	simm.s32 @!p2 $0x0  }
0x16: {  	s3 =	sld [smem:$0x3FDB];
	s0 =	simm.s32 @p2 $0x1  }
0x17: {  	s4 =	simm.s32 $0x1BF5;
	[smem:$0x3FBA] =	sst s0  }
0x18: {  	s0 =	sld [smem:$0x3F9D];
	_ =	swait.ge [sflag:s4], $0x0  }
0x19: {  	s7 =	sld [smem:$0x3F9E]  }
0x1a: {  	s8 =	sadd.s32 $0xFFFFE003, lr  }
0x1b: {  	s9 =	sadd.s32 $0xFFFFFEF7, lr;
	s5 =	simm.s32 $0xFFFFFFFF;
	p2 =	slt.u32 s8, $0xFFFFF086  }
0x1c: {  	p1 =	slt.u32 s9, $0xF7A;
	s5 =	simm.s32 @!p2 $0x0  }
0x1d: {  	s5 =	simm.s32 @p1 $0x1;
	p0 =	seq.s32 s7, s2  }
0x1e: {  	s7 =	smul.u32 @!p0 $0xF7A, s2;
	p2 =	seq.s32 @!p0 s5, $0x0  }
0x1f: {  	s9 =	smul.u32 $0xF7A, s1;
	s8 =	simm.s32 @!p0 $0x1BF5;
	p2 =	por !p2, p0  }
0x20: {  	[sflag:s8] =	ssyncset.s32 @!p0 $0xFFFFF086;
	s6 =	sadd.s32 @!p0 s3, s7;
	s7 =	simm.s32 @!p0 $0x108  }
0x21: {  	s3 =	sadd.s32 s3, s9;
	s6 =	sadd.s32 @!p0 $0x88, s6;
	s7 =	simm.s32 @p2 $0x1082  }
0x22: {  	[simem:s7], [sflag:s8] =	dma.local @!p0 [hbm:s6], $0xF7A  }
0x23: {  	s9 =	sor.u32 $0xD0000000, s2;
	s6 =	simm.s32 $0x108;
	_ =	swait.ge @!p0 [sflag:s8], $0x0  }
0x24: {  	s3 =	sadd.s32 $0x88, s3;
	s6 =	simm.s32 @!p1 $0x1082;
	[sflag:s4] =	ssyncset.s32 $0xFFFFF086  }
0x25: {  	[simem:s6], [sflag:s4] =	dma.local [hbm:s3], $0xF7A  }
0x26: {  	[smem:$0x3F9E] =	sst s1;
	(tag) =	ssettag s2;
	_ =	strace s9  }
0x27: {  	s1 =	sld [smem:$0x3FAE]  }
0x28: {  	s2 =	sld [smem:$0x3FAF]  }
0x29: {  	s4 =	sld [smem:$0x3FB1]  }
0x2a: {  	p0 =	seq.s32 s5, $0x0;
	s5 =	sld [smem:$0x3FB2]  }
0x2b: {  	s6 =	sld [smem:$0x3FB3]  }
0x2c: {  	s7 =	sld [smem:$0x3FB4]  }
0x2d: {  	s3 =	simm.s32 $0x108;
	s8 =	sld [smem:$0x3FB5]  }
0x2e: {  	s3 =	simm.s32 @!p0 $0x1082;
	s9 =	sld [smem:$0x3FB6]  }
0x2f: {  	lr =	sadd.s32 s0, s3;
	s0 =	sld [smem:$0x3FAD]  }
0x30: {  	s3 =	sld [smem:$0x3FB0]  }
0x31: {  	[smem:$0x3FB9] =	sst s10  }
0x32: {  	s10 =	sld [smem:$0x3FB7];
	_ =	sdelay $0x3  }
0x33: {  	p0 =	seq.s32 s10, $0x1;
	s10 =	sld [smem:$0x3FB9];
	_ =	sdelay $0x3  }
0x34: {  	[smem:$0x3FB9] =	sst s10  }
0x35: {  	s10 =	sld [smem:$0x3FB8];
	_ =	sdelay $0x3  }
0x36: {  	p1 =	seq.s32 s10, $0x1;
	s10 =	sld [smem:$0x3FB9];
	_ =	sdelay $0x3  }
0x37: {  	[smem:$0x3FB9] =	sst s10  }
0x38: {  	s10 =	sld [smem:$0x3FBA]  }
0x39: {  	_ = 	snop;
	(pc) =	sbr.ind lr, $3  }
0x3a: {  	_ = 	snop  }
0x3b: {  	_ = 	snop  }
0x3c: {  	p2 =	seq.s32 s10, $0x1;
	s10 =	sld [smem:$0x3FB9]  }
0x3d: {  	_ =	shalt  }
0x3e: {  	_ =	shalt  }
0x3f: {  	_ =	shalt  }
0x40: {  	_ =	shalt  }
0x41: {  	_ =	shalt  }
0x42: {  	_ =	shalt  }
0x43: {  	_ =	shalt  }
0x44: {  	_ =	shalt  }
0x45: {  	_ =	shalt  }
0x46: {  	_ =	shalt  }
0x47: {  	_ =	shalt  }
0x48: {  	_ =	shalt  }
0x49: {  	_ =	shalt  }
0x4a: {  	_ =	shalt  }
0x4b: {  	_ =	shalt  }
0x4c: {  	_ =	shalt  }
0x4d: {  	_ =	shalt  }
0x4e: {  	_ =	shalt  }
0x4f: {  	_ =	shalt  }
0x50: {  	_ =	shalt  }
0x51: {  	_ =	shalt  }
0x52: {  	_ =	shalt  }
0x53: {  	_ =	shalt  }
0x54: {  	_ =	shalt  }
0x55: {  	_ =	shalt  }
0x56: {  	_ =	shalt  }
0x57: {  	_ =	shalt  }
0x58: {  	_ =	shalt  }
0x59: {  	_ =	shalt  }
0x5a: {  	_ =	shalt  }
0x5b: {  	_ =	shalt  }
0x5c: {  	_ =	shalt  }
0x5d: {  	_ =	shalt  }
0x5e: {  	_ =	shalt  }
0x5f: {  	_ =	shalt  }
0x60: {  	_ =	shalt  }
0x61: {  	_ =	shalt  }
0x62: {  	_ =	shalt  }
0x63: {  	_ =	shalt  }
0x64: {  	_ =	shalt  }
0x65: {  	_ =	shalt  }
0x66: {  	_ =	shalt  }
0x67: {  	_ =	shalt  }
0x68: {  	_ =	shalt  }
0x69: {  	_ =	shalt  }
0x6a: {  	_ =	shalt  }
0x6b: {  	_ =	shalt  }
0x6c: {  	_ =	shalt  }
0x6d: {  	_ =	shalt  }
0x6e: {  	_ =	shalt  }
0x6f: {  	_ =	shalt  }
0x70: {  	_ =	shalt  }
0x71: {  	_ =	shalt  }
0x72: {  	_ =	shalt  }
0x73: {  	_ =	shalt  }
0x74: {  	_ =	shalt  }
0x75: {  	_ =	shalt  }
0x76: {  	_ =	shalt  }
0x77: {  	_ =	shalt  }
0x78: {  	_ =	shalt  }
0x79: {  	_ =	shalt  }
0x7a: {  	_ =	shalt  }
0x7b: {  	_ =	shalt  }
0x7c: {  	_ =	shalt  }
0x7d: {  	_ =	shalt  }
0x7e: {  	_ =	shalt  }
0x7f: {  	_ =	shalt  }
0x80: {  	_ =	shalt  }
0x81: {  	_ =	shalt  }
0x82: {  	_ =	shalt  }
0x83: {  	_ =	shalt  }
0x84: {  	_ =	shalt  }
0x85: {  	_ =	shalt  }
0x86: {  	_ =	shalt  }
0x87: {  	_ =	shalt  }
.Lfunc_end0:
.L_simem_size_0:
called_computation_lowered:
.L_overlay_start_0:
0x88: {  	s2 =	sld [smem:$0x3FD9]  }
0x89: {  	s3 =	sld [smem:$0x3FFE];
	_ =	sdelay $0x1  }
0x8a: {  	s1 =	srdreg.scid  }
0x8b: {  	s0 =	sand.u32 $0x1, s1  }
0x8c: {  	s14 =	sshll.u32 s0, $0xA;
	s2 =	sadd.s32 s3, s2  }
0x8d: {  	s2 =	sadd.s32 s2, s14  }
0x8e: {  	[smem:$0x3FC5] =	sst s2  }
0x8f: {  	_ = 	snop  }
0x90: {  	s2 =	sld [smem:$0x3FD0];
	_ =	sdelay $0x2  }
0x91: {  	s4 =	simm.s32 $0xA;
	s5 =	simm.s32 $0x10;
	s15 =	sld [smem:$0x3FC8]  }
0x92: {  	[smem:s5], [sflag:s4] =	dma.local [hbm:s2], $0x1  }
0x93: {  	_ =	swait.eq [sflag:s4], $0x1  }
0x94: {  	[sflag:s4] =	ssyncset.done $0x0  }
0x95: {  	[sflag:s4] =	ssyncadd.s32 $0xFFFFFFFF  }
0x96: {  	s16 =	sld [smem:$0x12];
	(tm) =	ssettm $0x1  }
0x97: {  	s17 =	sld [smem:$0x3FFB];
	_ =	sdelay $0x3  }
0x98: {  	_ =	strace s17  }
0x99: {  	s4 =	sld [smem:$0x3FFC];
	_ =	sdelay $0x3  }
0x9a: {  	_ =	strace s4  }
0x9b: {  	s4 =	sld [smem:$0x3FFD];
	_ =	sdelay $0x3  }
0x9c: {  	_ =	strace s4  }
0x9d: {  	_ =	strace $0x8FFFFFFF  }
0x9e: {  	s18 =	sld [smem:$0x3FDB];
	_ =	sdelay $0x1  }
0x9f: {  	s19 =	simm.s32 $_scs_section_size  }
0xa0: {  	s6 =	simm.s32 $_size__tile_overlayer_lowered;
	s7 =	simm.s32 $_tile_overlayer_lowered  }
0xa1: {  	s22 =	simm.s32 $0x1BFF;
	s21 =	sshll.u32 s7, $0x1;
	s4 =	sadd.s32 s19, s18  }
0xa2: {  	s8 =	simm.s32 $0x0;
	s20 =	sshll.u32 s6, $0x1;
	s6 =	sadd.s32 s21, s4  }
0xa3: {  	[timem:s8], [sflag:s22] =	dma.local [hbm:s6], s20  }
0xa4: {  	_ =	swait.ge [sflag:s22], s20  }
0xa5: {  	s5 =	ssub.s32 $0x0, s20;
	[sflag:s22] =	ssyncset.done $0x0  }
0xa6: {  	[sflag:s22] =	ssyncadd.s32 s5;
	_ =	sdelay $0x1  }
0xa7: {  	s23 =	simm.s32 $0x1B8B  }
0xa8: {  	_ =	swait.ge [sflag:s23], $0x1  }
0xa9: {  	[sflag:s23] =	ssyncset.done $0x0  }
0xaa: {  	s25 =	simm.s32 $0x1B8E;
	s24 =	sld [smem:$0x3FFE];
	[sflag:s23] =	ssyncadd.s32 $0xFFFFFFFF  }
0xab: {  	s26 =	simm.s32 $execute0_lowered;
	[smem:$0x3FD2] =	sst s25  }
0xac: {  	s6 =	sshll.u32 s26, $0x1;
	_ =	strace $0x80000046;
	[dreg:$0x1] =	wrdreg $0xFFFFFFFF  }
0xad: {  	s28 =	simm.s32 $_size_execute0_lowered;
	s4 =	sadd.s32 s4, s6;
	[dreg:$0x0] =	wrdreg $0x0  }
0xae: {  	s6 =	sshll.u32 s28, $0x1;
	[dreg:$0x2] =	wrdreg s4  }
0xaf: {  	[dreg:$0x3] =	wrdreg s6  }
0xb0: {  	[dreg:$0x4] =	wrdreg $0xC0  }
0xb1: {  	_ =	task [dreg:s8], $0x5FFFF  }
0xb2: {  	[dreg:$0x1] =	wrdreg $0xFFFFFFFF  }
0xb3: {  	[dreg:$0x0] =	wrdreg $0x60  }
0xb4: {  	[dreg:$0x2] =	wrdreg s15  }
0xb5: {  	[dreg:$0x3] =	wrdreg s24  }
0xb6: {  	[dreg:$0x4] =	wrdreg s16  }
0xb7: {  	[dreg:$0x5] =	wrdreg $0x9  }
0xb8: {  	_ =	task.clear_ibuf [dreg:s8], $0x6FFFF;
	_ =	strace $0x90000046  }
0xb9: {  	s29 =	simm.s32 $0x9;
	_ =	strace $0x80000048  }
0xba: {  	_ =	swait.ge [sflag:s29], $0x1  }
0xbb: {  	[sflag:s29] =	ssyncadd.s32 $0xFFFFFFFF  }
0xbc: {  	_ =	strace $0x90000048  }
0xbd: {  	_ =	sfence  }
0xbe: {  	s30 =	sld [smem:$0x0];
	_ =	sdelay $0x2  }
0xbf: {  	s31 =	sshll.u32 s1, $0xD;
	s1 =	sshrl.u32 s1, $0x2  }
0xc0: {  	s3 =	sand.u32 $0x4000, s31;
	s1 =	sadd.s32 s1, s30  }
0xc1: {  	s0 =	sor.u32 s3, s0;
	s1 =	sshll.u32 s1, $0x11  }
0xc2: {  	s0 =	sor.u32 s1, s0  }
0xc3: {  	s0 =	sadd.s32 $0x8F2B, s0  }
0xc4: {  	[sflag:s0] =	ssyncadd.remote.s32 $0x1  }
0xc5: {  	_ =	sfence.sel $0xFFFF  }
0xc6: {  	[dreg:$0x0] =	wrdreg $0xFFFFFFFF;
	(pc) =	sbr.abs _section_cstart, $3  }
0xc7: {  	[dreg:$0x1] =	wrdreg $0xFFFFFFFF  }
0xc8: {  	_ =	task.clear_ibuf [dreg:s8], $0x2FFFF;
	_ =	strace $0x9FFFFFFF  }
0xc9: {  	(tm) =	ssettm $0x7FFFFFFF  }
tec
execute0_lowered:
.L_overlay_start_1:
0x0: {  	(tag) =	ssettag $0x1  }
0x1: {  	s3 =	rddreg [dreg:$0x0]  }
0x2: {  	s4 =	rddreg [dreg:$0x1]  }
0x3: {  	s5 =	rddreg [dreg:$0x2]  }
0x4: {  	s0 =	rddreg [dreg:$0x3]  }
0x5: {  	s2 =	simm.s32 $0x0;
	s6 =	srdreg.scid;
	s1 =	stileid.u32  }
0x6: {  	[smem:$0x7FF] =	sst s2;
	s6 =	sand.u32 $0x1, s6;
	s7 =	sshll.u32 s1, $0x1  }
0x7: {  	s11 =	simm.s32 $0x0;
	_ =	strace $0x80000047;
	s7 =	sor.u32 s6, s7  }
0x8: {  	s6 =	ssub.s32 $0x2, s6;
	s8 =	sshll.u32 s7, $0x11;
	s7 =	sshll.u32 s7, $0xA  }
0x9: {  	s9 =	sshrl.u32 s6, $0x1;
	s8 =	sadd.s32 s8, s4;
	s10 =	sadd.s32 s7, s4  }
0xa: {  	s9 =	ssub.s32 s6, s9;
	s3 =	sadd.s32 s3, s7;
	s5 =	sadd.s32 s5, s7  }
0xb: {  	v0 =	vlaneseq.u32;
	v1 =	vimm.s32 $0x1;
	v2 =	vimm.s32 $0x2;
	s4 =	sadd.s32 $0xA00, s8;
	s6 =	sadd.s32 $0x400A00, s10;
	s7 =	smax.u32 s9, $0x1  }
0xc: {  	v3 =	vimm.s32 $0x3;
	v4 =	vimm.s32 $0x0;
	v0 =	vmul.u32 $0x80, v0;
	s8 =	simm.s32 $0x3;
	s9 =	simm.s32 $0x12000;
	s10 =	simm.s32 $0x14000  }
.LBB2_1:
0xd: {  	s12 =	simm.s32 $0x10000  }
0xe: {  	[tilespmem:s12], [sflag:$0x3] =	stream.linear.gather [hbm4b:s3+s2], $0x2000, $0x38;
	[tilespmem:$0x16000] =	vst v63  }
0xf: {  	_ =	swait.ge [sflag:s8], $0x2000  }
0x10: {  	s13 =	simm.s32 $0x14000;
	[sflag:s8] =	ssyncset.done $0x0  }
0x11: {  	s14 =	simm.s32 $0x12000;
	s15 =	simm.s32 $0x0;
	[sflag:s8] =	ssyncadd.s32 $0xFFFFE000  }
0x12: {  	[tilespmem:s2], [sflag:$0x1] =	stream.linear.gather [hbm4b:s4+s2], $0x8000, $0x38;
	[tilespmem:$0x16000] =	vst v63  }
.LBB2_3:
0x13: {  	s16 =	sand.u32 $0x1, s15;
	p0 =	seq.s32 s15, $0x1F;
	s15 =	sadd.s32 $0x1, s15  }
0x14: {  	s17 =	sadd.s32 $0x1, s16;
	s18 =	sxor.u32 @!p0 $0x1, s16;
	s19 =	sshll.u32 @!p0 s15, $0xC  }
0x15: {  	s20 =	simm.s32 @!p0 $0x0;
	s16 =	sshll.u32 s16, $0xF;
	_ =	swait.ge [sflag:s17], $0x8000  }
0x16: {  	s19 =	sadd.s32 @!p0 s19, s4;
	v5 =	vmov s16;
	s16 =	simm.s32 $0x0;
	[sflag:s17] =	ssyncset.done $0x0  }
0x17: {  	[sflag:s17] =	ssyncadd.s32 $0xFFFF8000;
	s17 =	sshll.u32 @!p0 s18, $0xF;
	s18 =	sadd.s32 @!p0 $0x1, s18  }
0x18: {  	[tilespmem:s17], [sflag:s18] =	stream.linear.gather @!p0 [hbm4b:s19+s20], $0x8000, $0x38;
	[tilespmem:$0x16000] =	vst v63  }
0x19: {  	s17 =	smov.u32 s13;
	s18 =	smov.u32 s12;
	s19 =	smov.u32 s14  }
.LBB2_4:
0x1a: {  	v6 =	vmov s16  }
0x1b: {  	v6 =	vshll.u32 v6, $0x7  }
0x1c: {  	v7 =	vand.u32 $0x4000, v6;
	v6 =	vor.u32 v0, v6  }
0x1d: {  	v7 =	vor.u32 v5, v7;
	v6 =	vand.u32 $0x3F80, v6  }
0x1e: {  	v6 =	vor.u32 v6, v7  }
0x1f: {  	v7 =	vor.u32 $0x1, v6  }
0x20: {  	v8 =	vor.u32 $0x2, v6  }
0x21: {  	v9 =	vor.u32 $0x4, v6  }
0x22: {  	v10 =	vor.u32 $0x3, v6  }
0x23: {  	v12 =	vor.u32 $0x5, v6;
	v11 =	vld.idx.msk [tilespmem:v6+s2+$0x0], $0xffff  }
0x24: {  	v13 =	vor.u32 $0x6, v6;
	v7 =	vld.idx.msk [tilespmem:v7+s2+$0x0], $0xffff  }
0x25: {  	v14 =	vor.u32 $0x7, v6;
	v8 =	vld.idx.msk [tilespmem:v8+s2+$0x0], $0xffff  }
0x26: {  	v15 =	vor.u32 $0x8, v6;
	v9 =	vld.idx.msk [tilespmem:v9+s2+$0x0], $0xffff  }
0x27: {  	v16 =	vor.u32 $0x9, v6;
	v10 =	vld.idx.msk [tilespmem:v10+s2+$0x0], $0xffff  }
0x28: {  	v17 =	vor.u32 $0xA, v6;
	v12 =	vld.idx.msk [tilespmem:v12+s2+$0x0], $0xffff  }
0x29: {  	v18 =	vor.u32 $0xB, v6;
	v13 =	vld.idx.msk [tilespmem:v13+s2+$0x0], $0xffff  }
0x2a: {  	v53 =	vor.u32 $0xD, v6;
	v14 =	vld.idx.msk [tilespmem:v14+s2+$0x0], $0xffff  }
0x2b: {  	v58 =	vor.u32 $0x10, v6;
	v15 =	vld.idx.msk [tilespmem:v15+s2+$0x0], $0xffff  }
0x2c: {  	v24 =	vor.u32 $0x12, v6;
	v52 =	vld.idx.msk [tilespmem:v16+s2+$0x0], $0xffff  }
0x2d: {  	v26 =	vor.u32 $0x13, v6;
	v54 =	vld.idx.msk [tilespmem:v17+s2+$0x0], $0xffff  }
0x2e: {  	v28 =	vor.u32 $0x14, v6;
	v18 =	vld.idx.msk [tilespmem:v18+s2+$0x0], $0xffff  }
0x2f: {  	v31 =	vor.u32 $0x15, v6;
	v59 =	vld.idx.msk [tilespmem:v53+s2+$0x0], $0xffff  }
0x30: {  	v35 =	vor.u32 $0x17, v6;
	v27 =	vld.idx.msk [tilespmem:v58+s2+$0x0], $0xffff  }
0x31: {  	v38 =	vor.u32 $0x18, v6;
	v32 =	vld.idx.msk [tilespmem:v24+s2+$0x0], $0xffff  }
0x32: {  	v40 =	vor.u32 $0x19, v6;
	v34 =	vld.idx.msk [tilespmem:v26+s2+$0x0], $0xffff  }
0x33: {  	v42 =	vor.u32 $0x1A, v6;
	v37 =	vld.idx.msk [tilespmem:v28+s2+$0x0], $0xffff  }
0x34: {  	v20 =	vor.u32 $0xC, v6;
	v44 =	vor.u32 $0x1B, v6;
	v39 =	vld.idx.msk [tilespmem:v31+s2+$0x0], $0xffff  }
0x35: {  	v22 =	vor.u32 $0xE, v6;
	v23 =	vor.u32 $0xF, v6;
	v46 =	vor.u32 $0x1C, v6;
	v43 =	vld.idx.msk [tilespmem:v35+s2+$0x0], $0xffff  }
0x36: {  	v61 =	vor.u32 $0x11, v6;
	v33 =	vor.u32 $0x16, v6;
	v45 =	vld.idx.msk [tilespmem:v38+s2+$0x0], $0xffff;
	v24 =	vor.u32 $0x25, v6  }
0x37: {  	v48 =	vor.u32 $0x1D, v6;
	v50 =	vor.u32 $0x1E, v6;
	v47 =	vld.idx.msk [tilespmem:v40+s2+$0x0], $0xffff;
	v28 =	vor.u32 $0x27, v6  }
0x38: {  	v49 =	vld.idx.msk [tilespmem:v42+s2+$0x0], $0xffff;
	v58 =	vor.u32 $0x22, v6;
	v26 =	vor.u32 $0x26, v6;
	v38 =	vor.u32 $0x2C, v6  }
0x39: {  	v51 =	vld.idx.msk [tilespmem:v44+s2+$0x0], $0xffff;
	v40 =	vor.u32 $0x2D, v6;
	v42 =	vor.u32 $0x2E, v6;
	v44 =	vor.u32 $0x2F, v6  }
0x3a: {  	v53 =	vld.idx.msk [tilespmem:v46+s2+$0x0], $0xffff;
	v46 =	vor.u32 $0x30, v6;
	vm0 =	vgt.f32 v9, v11;
	vm14 =	vgt.f32 v12, v7  }
0x3b: {  	vm15 =	vgt.f32 v13, v8;
	vm1 =	vgt.f32 v14, v10;
	v31 =	vld.idx.msk [tilespmem:v24+s2+$0x0], $0xffff;
	v24 =	vor.u32 $0x38, v6  }
0x3c: {  	v35 =	vld.idx.msk [tilespmem:v28+s2+$0x0], $0xffff;
	v28 =	vor.u32 $0x3B, v6;
	v19 =	vsel vm0, $0x4, v4;
	v9 =	vsel vm0, v9, v11  }
0x3d: {  	v21 =	vsel vm14, $0x5, v1;
	v7 =	vsel vm14, v12, v7;
	v55 =	vsel vm15, $0x6, v2  }
0x3e: {  	v57 =	vld.idx.msk [tilespmem:v20+s2+$0x0], $0xffff;
	v8 =	vsel vm15, v13, v8;
	v56 =	vsel vm1, $0x7, v3;
	v10 =	vsel vm1, v14, v10  }
0x3f: {  	v63 =	vld.idx.msk [tilespmem:v22+s2+$0x0], $0xffff;
	vm4 =	vgt.f32 v15, v9;
	vm5 =	vgt.f32 v52, v7;
	vm6 =	vgt.f32 v54, v8  }
0x40: {  	v25 =	vld.idx.msk [tilespmem:v23+s2+$0x0], $0xffff;
	vm7 =	vgt.f32 v18, v10;
	v19 =	vsel vm4, $0x8, v19;
	v9 =	vsel vm4, v15, v9  }
0x41: {  	v60 =	vsel vm5, $0x9, v21;
	v7 =	vsel vm5, v52, v7;
	v62 =	vsel vm6, $0xA, v55  }
0x42: {  	v8 =	vsel vm6, v54, v8;
	v13 =	vsel vm7, $0xB, v56;
	v10 =	vsel vm7, v18, v10  }
0x43: {  	v52 =	vor.u32 $0x1F, v6;
	v54 =	vor.u32 $0x20, v6;
	v56 =	vor.u32 $0x21, v6  }
0x44: {  	v55 =	vld.idx.msk [tilespmem:v48+s2+$0x0], $0xffff;
	v48 =	vor.u32 $0x31, v6;
	vm8 =	vgt.f32 v57, v9;
	vm9 =	vgt.f32 v59, v7  }
0x45: {  	v30 =	vld.idx.msk [tilespmem:v61+s2+$0x0], $0xffff;
	vm10 =	vgt.f32 v63, v8;
	vm11 =	vgt.f32 v25, v10;
	v19 =	vsel vm8, $0xC, v19  }
0x46: {  	v9 =	vsel vm8, v57, v9;
	v29 =	vsel vm9, $0xD, v60;
	v7 =	vsel vm9, v59, v7  }
0x47: {  	v11 =	vsel vm10, $0xE, v62;
	v8 =	vsel vm10, v63, v8;
	v13 =	vsel vm11, $0xF, v13  }
0x48: {  	v10 =	vsel vm11, v25, v10;
	v57 =	vld.idx.msk [tilespmem:v50+s2+$0x0], $0xffff;
	v60 =	vor.u32 $0x23, v6;
	v62 =	vor.u32 $0x24, v6  }
0x49: {  	v25 =	vld.idx.msk [tilespmem:v58+s2+$0x0], $0xffff;
	v50 =	vor.u32 $0x32, v6;
	v58 =	vor.u32 $0x36, v6;
	vm12 =	vgt.f32 v27, v9  }
0x4a: {  	v41 =	vld.idx.msk [tilespmem:v33+s2+$0x0], $0xffff;
	vm13 =	vgt.f32 v30, v7;
	vm14 =	vgt.f32 v32, v8;
	vm15 =	vgt.f32 v34, v10  }
0x4b: {  	v36 =	vsel vm12, $0x10, v19;
	v9 =	vsel vm12, v27, v9;
	v14 =	vsel vm13, $0x11, v29  }
0x4c: {  	v7 =	vsel vm13, v30, v7;
	v11 =	vsel vm14, $0x12, v11;
	v8 =	vsel vm14, v32, v8  }
0x4d: {  	v13 =	vsel vm15, $0x13, v13;
	v10 =	vsel vm15, v34, v10;
	v30 =	vor.u32 $0x28, v6  }
0x4e: {  	v32 =	vor.u32 $0x29, v6;
	v34 =	vor.u32 $0x2A, v6;
	vm4 =	vgt.f32 v37, v9;
	v59 =	vld.idx.msk [tilespmem:v52+s2+$0x0], $0xffff  }
0x4f: {  	vm5 =	vgt.f32 v39, v7;
	vm6 =	vgt.f32 v41, v8;
	vm7 =	vgt.f32 v43, v10;
	v61 =	vld.idx.msk [tilespmem:v54+s2+$0x0], $0xffff  }
0x50: {  	v63 =	vld.idx.msk [tilespmem:v56+s2+$0x0], $0xffff;
	v52 =	vor.u32 $0x33, v6;
	v54 =	vor.u32 $0x34, v6;
	v56 =	vor.u32 $0x35, v6  }
0x51: {  	v12 =	vsel vm4, $0x14, v36;
	v9 =	vsel vm4, v37, v9;
	v14 =	vsel vm5, $0x15, v14  }
0x52: {  	v7 =	vsel vm5, v39, v7;
	v11 =	vsel vm6, $0x16, v11;
	v8 =	vsel vm6, v41, v8  }
0x53: {  	v13 =	vsel vm7, $0x17, v13;
	v10 =	vsel vm7, v43, v10;
	v36 =	vor.u32 $0x2B, v6  }
0x54: {  	vm8 =	vgt.f32 v45, v9;
	vm9 =	vgt.f32 v47, v7;
	vm10 =	vgt.f32 v49, v8;
	v27 =	vld.idx.msk [tilespmem:v60+s2+$0x0], $0xffff  }
0x55: {  	vm11 =	vgt.f32 v51, v10;
	v29 =	vld.idx.msk [tilespmem:v62+s2+$0x0], $0xffff;
	v60 =	vor.u32 $0x37, v6;
	v62 =	vor.u32 $0x39, v6  }
0x56: {  	v12 =	vsel vm8, $0x18, v12;
	v9 =	vsel vm8, v45, v9;
	v14 =	vsel vm9, $0x19, v14  }
0x57: {  	v7 =	vsel vm9, v47, v7;
	v11 =	vsel vm10, $0x1A, v11;
	v8 =	vsel vm10, v49, v8;
	v49 =	vld.idx.msk [tilespmem:v42+s2+$0x0], $0xffff  }
0x58: {  	v13 =	vsel vm11, $0x1B, v13;
	v10 =	vsel vm11, v51, v10;
	v51 =	vld.idx.msk [tilespmem:v44+s2+$0x0], $0xffff;
	v42 =	vor.u32 $0x44, v6  }
0x59: {  	v44 =	vor.u32 $0x45, v6;
	vm12 =	vgt.f32 v53, v9;
	vm13 =	vgt.f32 v55, v7;
	v37 =	vld.idx.msk [tilespmem:v30+s2+$0x0], $0xffff  }
0x5a: {  	vm14 =	vgt.f32 v57, v8;
	v39 =	vld.idx.msk [tilespmem:v32+s2+$0x0], $0xffff;
	v30 =	vor.u32 $0x3D, v6;
	v32 =	vor.u32 $0x3E, v6  }
0x5b: {  	v41 =	vld.idx.msk [tilespmem:v34+s2+$0x0], $0xffff;
	v34 =	vor.u32 $0x3F, v6;
	v12 =	vsel vm12, $0x1C, v12;
	v9 =	vsel vm12, v53, v9  }
0x5c: {  	v14 =	vsel vm13, $0x1D, v14;
	v7 =	vsel vm13, v55, v7;
	v11 =	vsel vm14, $0x1E, v11  }
0x5d: {  	vm15 =	vgt.f32 v59, v10;
	v8 =	vsel vm14, v57, v8;
	v53 =	vld.idx.msk [tilespmem:v46+s2+$0x0], $0xffff;
	v46 =	vor.u32 $0x47, v6  }
0x5e: {  	v20 =	vld.idx.msk [tilespmem:v54+s2+$0x0], $0xffff;
	v54 =	vor.u32 $0x4D, v6;
	v13 =	vsel vm15, $0x1F, v13;
	v10 =	vsel vm15, v59, v10  }
0x5f: {  	v33 =	vld.idx.msk [tilespmem:v26+s2+$0x0], $0xffff;
	vm4 =	vgt.f32 v61, v9;
	vm5 =	vgt.f32 v63, v7;
	vm6 =	vgt.f32 v25, v8  }
0x60: {  	v43 =	vld.idx.msk [tilespmem:v36+s2+$0x0], $0xffff;
	v36 =	vor.u32 $0x40, v6;
	v12 =	vsel vm4, $0x20, v12;
	v9 =	vsel vm4, v61, v9  }
0x61: {  	v14 =	vsel vm5, $0x21, v14;
	v7 =	vsel vm5, v63, v7;
	v11 =	vsel vm6, $0x22, v11  }
0x62: {  	v8 =	vsel vm6, v25, v8;
	vm7 =	vgt.f32 v27, v10;
	v25 =	vor.u32 $0x3A, v6  }
0x63: {  	v61 =	vld.idx.msk [tilespmem:v56+s2+$0x0], $0xffff;
	v56 =	vor.u32 $0x4E, v6;
	v13 =	vsel vm7, $0x23, v13;
	v10 =	vsel vm7, v27, v10  }
0x64: {  	vm8 =	vgt.f32 v29, v9;
	vm9 =	vgt.f32 v31, v7;
	vm10 =	vgt.f32 v33, v8  }
0x65: {  	v12 =	vsel vm8, $0x24, v12;
	v9 =	vsel vm8, v29, v9;
	v14 =	vsel vm9, $0x25, v14  }
0x66: {  	v7 =	vsel vm9, v31, v7;
	v11 =	vsel vm10, $0x26, v11;
	vm11 =	vgt.f32 v35, v10  }
0x67: {  	v45 =	vld.idx.msk [tilespmem:v38+s2+$0x0], $0xffff;
	v8 =	vsel vm10, v33, v8;
	v29 =	vor.u32 $0x3C, v6;
	v13 =	vsel vm11, $0x27, v13  }
0x68: {  	v47 =	vld.idx.msk [tilespmem:v40+s2+$0x0], $0xffff;
	vm12 =	vgt.f32 v37, v9;
	v10 =	vsel vm11, v35, v10;
	vm13 =	vgt.f32 v39, v7  }
0x69: {  	vm14 =	vgt.f32 v41, v8;
	v12 =	vsel vm12, $0x28, v12;
	v9 =	vsel vm12, v37, v9  }
0x6a: {  	v14 =	vsel vm13, $0x29, v14;
	v7 =	vsel vm13, v39, v7;
	v11 =	vsel vm14, $0x2A, v11  }
0x6b: {  	vm15 =	vgt.f32 v43, v10;
	v8 =	vsel vm14, v41, v8;
	v37 =	vor.u32 $0x41, v6  }
0x6c: {  	v55 =	vld.idx.msk [tilespmem:v48+s2+$0x0], $0xffff;
	v39 =	vor.u32 $0x42, v6;
	v41 =	vor.u32 $0x43, v6;
	v13 =	vsel vm15, $0x2B, v13  }
0x6d: {  	v57 =	vld.idx.msk [tilespmem:v50+s2+$0x0], $0xffff;
	v10 =	vsel vm15, v43, v10;
	vm4 =	vgt.f32 v45, v9;
	vm5 =	vgt.f32 v47, v7  }
0x6e: {  	vm6 =	vgt.f32 v49, v8;
	v31 =	vld.idx.msk [tilespmem:v25+s2+$0x0], $0xffff;
	v25 =	vor.u32 $0x4A, v6;
	v12 =	vsel vm4, $0x2C, v12  }
0x6f: {  	v9 =	vsel vm4, v45, v9;
	v14 =	vsel vm5, $0x2D, v14;
	v7 =	vsel vm5, v47, v7  }
0x70: {  	v11 =	vsel vm6, $0x2E, v11;
	v8 =	vsel vm6, v49, v8;
	vm7 =	vgt.f32 v51, v10  }
0x71: {  	v59 =	vld.idx.msk [tilespmem:v52+s2+$0x0], $0xffff;
	v45 =	vor.u32 $0x46, v6;
	v47 =	vor.u32 $0x48, v6;
	v49 =	vor.u32 $0x49, v6  }
0x72: {  	v13 =	vsel vm7, $0x2F, v13;
	vm8 =	vgt.f32 v53, v9;
	v10 =	vsel vm7, v51, v10  }
0x73: {  	v63 =	vld.idx.msk [tilespmem:v58+s2+$0x0], $0xffff;
	vm9 =	vgt.f32 v55, v7;
	vm10 =	vgt.f32 v57, v8;
	v51 =	vor.u32 $0x4B, v6  }
0x74: {  	v12 =	vsel vm8, $0x30, v12;
	v9 =	vsel vm8, v53, v9;
	v14 =	vsel vm9, $0x31, v14  }
0x75: {  	v26 =	vld.idx.msk [tilespmem:v60+s2+$0x0], $0xffff;
	v7 =	vsel vm9, v55, v7;
	v11 =	vsel vm10, $0x32, v11;
	v8 =	vsel vm10, v57, v8  }
0x76: {  	v27 =	vld.idx.msk [tilespmem:v24+s2+$0x0], $0xffff;
	vm11 =	vgt.f32 v59, v10;
	v53 =	vor.u32 $0x4C, v6;
	v6 =	vor.u32 $0x4F, v6  }
0x77: {  	v16 =	vld.idx.msk [tilespmem:v62+s2+$0x0], $0xffff;
	v13 =	vsel vm11, $0x33, v13;
	vm1 =	vgt.f32 v20, v9;
	v10 =	vsel vm11, v59, v10  }
0x78: {  	v33 =	vld.idx.msk [tilespmem:v28+s2+$0x0], $0xffff;
	vm12 =	vgt.f32 v61, v7;
	vm13 =	vgt.f32 v63, v8;
	v12 =	vsel vm1, $0x34, v12  }
0x79: {  	v38 =	vld.idx.msk [tilespmem:v32+s2+$0x0], $0xffff;
	v9 =	vsel vm1, v20, v9;
	v14 =	vsel vm12, $0x35, v14;
	v7 =	vsel vm12, v61, v7  }
0x7a: {  	v18 =	vld.idx.msk [tilespmem:v29+s2+$0x0], $0xffff;
	v11 =	vsel vm13, $0x36, v11;
	v8 =	vsel vm13, v63, v8;
	vm14 =	vgt.f32 v26, v10  }
0x7b: {  	v35 =	vld.idx.msk [tilespmem:v30+s2+$0x0], $0xffff;
	vm1 =	vgt.f32 v27, v9;
	v13 =	vsel vm14, $0x37, v13;
	v10 =	vsel vm14, v26, v10  }
0x7c: {  	v40 =	vld.idx.msk [tilespmem:v34+s2+$0x0], $0xffff;
	vm15 =	vgt.f32 v16, v7;
	vm4 =	vgt.f32 v31, v8;
	v12 =	vsel vm1, $0x38, v12  }
0x7d: {  	v43 =	vld.idx.msk [tilespmem:v37+s2+$0x0], $0xffff;
	v9 =	vsel vm1, v27, v9;
	v14 =	vsel vm15, $0x39, v14;
	v7 =	vsel vm15, v16, v7  }
0x7e: {  	v20 =	vld.idx.msk [tilespmem:v36+s2+$0x0], $0xffff;
	v11 =	vsel vm4, $0x3A, v11;
	v8 =	vsel vm4, v31, v8;
	vm5 =	vgt.f32 v33, v10  }
0x7f: {  	v17 =	vld.idx.msk [tilespmem:v39+s2+$0x0], $0xffff;
	v13 =	vsel vm5, $0x3B, v13;
	v10 =	vsel vm5, v33, v10;
	vm6 =	vgt.f32 v18, v9  }
0x80: {  	v23 =	vld.idx.msk [tilespmem:v41+s2+$0x0], $0xffff;
	vm7 =	vgt.f32 v35, v7;
	vm8 =	vgt.f32 v38, v8;
	v12 =	vsel vm6, $0x3C, v12  }
0x81: {  	v48 =	vld.idx.msk [tilespmem:v42+s2+$0x0], $0xffff;
	v9 =	vsel vm6, v18, v9;
	v14 =	vsel vm7, $0x3D, v14;
	v7 =	vsel vm7, v35, v7  }
0x82: {  	v22 =	vld.idx.msk [tilespmem:v44+s2+$0x0], $0xffff;
	v11 =	vsel vm8, $0x3E, v11;
	vm9 =	vgt.f32 v40, v10;
	v8 =	vsel vm8, v38, v8  }
0x83: {  	v50 =	vld.idx.msk [tilespmem:v45+s2+$0x0], $0xffff;
	v13 =	vsel vm9, $0x3F, v13;
	v10 =	vsel vm9, v40, v10;
	vm10 =	vgt.f32 v20, v9  }
0x84: {  	v52 =	vld.idx.msk [tilespmem:v46+s2+$0x0], $0xffff;
	vm11 =	vgt.f32 v43, v7;
	vm12 =	vgt.f32 v17, v8;
	v12 =	vsel vm10, $0x40, v12  }
0x85: {  	v21 =	vld.idx.msk [tilespmem:v49+s2+$0x0], $0xffff;
	v9 =	vsel vm10, v20, v9;
	v7 =	vsel vm11, v43, v7;
	vm2 =	vgt.f32 v23, v10  }
0x86: {  	v16 =	vld.idx.msk [tilespmem:v47+s2+$0x0], $0xffff;
	v8 =	vsel vm12, v17, v8;
	v14 =	vsel vm11, $0x41, v14;
	v11 =	vsel vm12, $0x42, v11  }
0x87: {  	v55 =	vld.idx.msk [tilespmem:v25+s2+$0x0], $0xffff;
	v10 =	vsel vm2, v23, v10;
	vm13 =	vgt.f32 v48, v9;
	vm14 =	vgt.f32 v22, v7  }
0x88: {  	v19 =	vld.idx.msk [tilespmem:v51+s2+$0x0], $0xffff;
	v13 =	vsel vm2, $0x43, v13;
	vm15 =	vgt.f32 v50, v8;
	v9 =	vsel vm13, v48, v9  }
0x89: {  	v57 =	vld.idx.msk [tilespmem:v53+s2+$0x0], $0xffff;
	v7 =	vsel vm14, v22, v7;
	v12 =	vsel vm13, $0x44, v12;
	vm4 =	vgt.f32 v52, v10  }
0x8a: {  	v17 =	vld.idx.msk [tilespmem:v54+s2+$0x0], $0xffff;
	v8 =	vsel vm15, v50, v8;
	v14 =	vsel vm14, $0x45, v14;
	v11 =	vsel vm15, $0x46, v11  }
0x8b: {  	v10 =	vsel vm4, v52, v10;
	vm5 =	vgt.f32 v16, v9;
	vm6 =	vgt.f32 v21, v7  }
0x8c: {  	v58 =	vld.idx.msk [tilespmem:v56+s2+$0x0], $0xffff;
	v13 =	vsel vm4, $0x47, v13;
	vm7 =	vgt.f32 v55, v8;
	v9 =	vsel vm5, v16, v9  }
0x8d: {  	v7 =	vsel vm6, v21, v7;
	v12 =	vsel vm5, $0x48, v12;
	vm8 =	vgt.f32 v19, v10  }
0x8e: {  	v6 =	vld.idx.msk [tilespmem:v6+s2+$0x0], $0xffff;
	v8 =	vsel vm7, v55, v8;
	v14 =	vsel vm6, $0x49, v14;
	v11 =	vsel vm7, $0x4A, v11  }
0x8f: {  	v10 =	vsel vm8, v19, v10;
	vm9 =	vgt.f32 v57, v9;
	vm10 =	vgt.f32 v17, v7  }
0x90: {  	v13 =	vsel vm8, $0x4B, v13;
	v9 =	vsel vm9, v57, v9;
	v7 =	vsel vm10, v17, v7  }
0x91: {  	vm11 =	vgt.f32 v58, v8;
	v12 =	vsel vm9, $0x4C, v12;
	vm12 =	vgt.f32 v7, v9  }
0x92: {  	v14 =	vsel vm10, $0x4D, v14;
	v8 =	vsel vm11, v58, v8;
	v7 =	vsel vm12, v7, v9  }
0x93: {  	v59 =	vsel vm11, $0x4E, v11;
	vm13 =	vgt.f32 v6, v10;
	vm14 =	vgt.f32 v8, v7  }
0x94: {  	v6 =	vsel vm13, v6, v10;
	v60 =	vsel vm12, v14, v12;
	v7 =	vsel vm14, v8, v7  }
0x95: {  	v61 =	vsel vm13, $0x4F, v13;
	v9 =	vsel vm14, v59, v60;
	vm15 =	vgt.f32 v6, v7  }
0x96: {  	v8 =	vsel vm15, v61, v9  }
0x97: {  	[tilespmem:s19+$0x0] =	vst v8  }
0x98: {  	v8 =	vld [tilespmem:s18+$0x0];
	_ =	sdelay $0x4  }
0x99: {  	v8 =	vsub.f32 $0.0e+00, v8;
	_ =	sdelay $0x1  }
0x9a: {  	v8 =	vmul.f32 $1.442695020e+00, v8;
	_ =	sdelay $0x1  }
0x9b: {  	(erf) = vpow2.f32 v8;
	_ =	sdelay $0x7  }
0x9c: {  	v6 =	vsel vm15, v6, v7  }
0x9d: {  	v6 =	vsub.f32 $0.0e+00, v6;
	v7 =	vpop (erf)  }
0x9e: {  	v7 =	vadd.f32 $1.000000000e+00, v7  }
0x9f: {  	v6 =	vmul.f32 $1.442695020e+00, v6  }
0xa0: {  	(erf) = vrcp.f32 v7  }
0xa1: {  	(erf) = vpow2.f32 v6;
	_ =	sdelay $0x7  }
0xa2: {  	v6 =	vpop (erf)  }
0xa3: {  	v7 =	vpop (erf)  }
0xa4: {  	v7 =	vadd.f32 $1.000000000e+00, v7;
	_ =	sdelay $0x1  }
0xa5: {  	(erf) = vrcp.f32 v7;
	_ =	sdelay $0x8  }
0xa6: {  	v7 =	vpop (erf)  }
0xa7: {  	v6 =	vmul.f32 v7, v6;
	_ =	sdelay $0x1  }
0xa8: {  	v7 =	vshra.s32 v6, $0x1  }
0xa9: {  	v7 =	vadd.s32 $0x1FBD1DF5, v7  }
0xaa: {  	(erf) = vrcp.f32 v7;
	_ =	sdelay $0x8  }
0xab: {  	v62 =	vpop (erf)  }
0xac: {  	v8 =	vmul.f32 v62, v6;
	_ =	sdelay $0x1  }
0xad: {  	v7 =	vadd.f32 v7, v8;
	_ =	sdelay $0x1  }
0xae: {  	v7 =	vmul.f32 $5.000000000e-01, v7;
	_ =	sdelay $0x1  }
0xaf: {  	(erf) = vrcp.f32 v7;
	_ =	sdelay $0x8  }
0xb0: {  	v63 =	vpop (erf)  }
0xb1: {  	v6 =	vmul.f32 v63, v6  }
0xb2: {  	p0 =	seq.s32 s16, $0xF0  }
.Ltmp0:
0xb3: {  	v6 =	vadd.f32 v6, v7;
	(pc) =	sbr.rel @!p0 .LBB2_4-.Ltmp0, $4  }
0xb4: {  	_ = 	snop  }
0xb5: {  	v6 =	vmul.f32 $5.000000000e-01, v6  }
0xb6: {  	s16 =	sadd.s32 $0x10, s16  }
0xb7: {  	s19 =	sadd.s32 $0x10, s19;
	s18 =	sadd.s32 $0x10, s18;
	[tilespmem:s17+$0x0] =	vst v6;
	s17 =	sadd.s32 $0x10, s17  }
0xb8: {  	p0 =	seq.s32 s15, $0x20  }
.Ltmp1:
0xb9: {  	_ = 	snop;
	(pc) =	sbr.rel @!p0 .LBB2_3-.Ltmp1, $2  }
0xba: {  	_ =	sdelay $0x2  }
0xbb: {  	s14 =	sadd.s32 $0x100, s14;
	s12 =	sadd.s32 $0x100, s12;
	s13 =	sadd.s32 $0x100, s13  }
0xbc: {  	[hbm4b:s5+s2] =	stream.linear.scatter [tilespmem:s9], [sflag:$0x3], $0x2000, $0x38;
	[tilespmem:$0x16000] =	vst v63  }
0xbd: {  	s11 =	sadd.s32 $0x1, s11;
	_ =	swait.ge [sflag:s8], $0x2000  }
0xbe: {  	p0 =	sne.s32 s11, s7;
	[sflag:s8] =	ssyncset.done $0x0  }
.Ltmp2:
0xbf: {  	[sflag:s8] =	ssyncadd.s32 $0xFFFFE000;
	(pc) =	sbr.rel @p0 .LBB2_1-.Ltmp2, $4  }
0xc0: {  	[hbm4b:s6+s2] =	stream.linear.scatter [tilespmem:s10], [sflag:$0x3], $0x2000, $0x38;
	[tilespmem:$0x16000] =	vst v63  }
0xc1: {  	_ =	swait.ge [sflag:s8], $0x2000  }
0xc2: {  	[sflag:s8] =	ssyncset.done $0x0  }
0xc3: {  	[sflag:s8] =	ssyncadd.s32 $0xFFFFE000  }
0xc4: {  	_ =	sfence.sel $0x180000  }
0xc5: {  	[bflag:$0x0] =	sbarrier.arrive $0xFFFF  }
0xc6: {  	p0 =	sne.s32 s1, $0x0;
	_ =	strace $0x90000047  }
0xc7: {  	s0 =	sadd.s32 @!p0 $0x100000, s0;
	[bflag:$0x2] =	sbarrier.arrive $0xFFFF  }
0xc8: {  	[sflag:s0] =	ssyncadd.tile.s32 @!p0 $0x1;
	_ =	shalt  }
.Lfunc_end2:
_tile_overlayer_lowered:
.L_overlay_start_2:
0xc9: {  	(tag) =	ssettag $0x2  }
0xca: {  	s0 =	rddreg [dreg:$0x0];
	s2 =	stileid.u32  }
0xcb: {  	s1 =	rddreg [dreg:$0x1];
	p0 =	sne.s32 s2, $0x0  }
0xcc: {  	s3 =	rddreg [dreg:$0x2];
	[bflag:$0x3] =	sbarrier.arrive $0xFFFF;
	s2 =	simm.s32 @!p0 $0x1C03  }
0xcd: {  	[timem:s3], [sflag:s2] =	dma.local @!p0 [hbm:s0], s1  }
0xce: {  	s0 =	simm.s32 @!p0 $0x3  }
0xcf: {  	_ =	swait.ge @!p0 [sflag:s0], s1  }
0xd0: {  	s1 =	ssub.s32 @!p0 $0x0, s1;
	[sflag:s0] =	ssyncset.done @!p0 $0x0  }
0xd1: {  	[sflag:s0] =	ssyncadd.s32 @!p0 s1  }
0xd2: {  	[bflag:$0x3] =	sbarrier.arrive $0xFFFF  }
0xd3: {  	_ =	shalt  }

</sc_bundles>
